<compile_context>
chip_gen: v7x
topology: tpu7x:2x2x1
jax: 0.10.2.dev20260603
libtpu: 0.0.44.dev20260713+nightly
codegen_flags: <defaults>
</compile_context>

<pallas_src>
import functools

import jax
import jax.numpy as jnp
from jax import lax
from jax.experimental import pallas as pl
from jax.experimental.pallas import tpu as pltpu, tpu_sc as plsc

B = 1024
V = 100000
NC = 2
NS = 16
L = 16
NW = NC * NS
NB = 8
NG = NW // NB
VS = 62400
SW = VS // NG
VCH = 240
NCHK = SW // VCH
CHT = 800
NTC = (V - VS) // CHT
BL = B // NB
NEG = float("-inf")

_mesh = plsc.VectorSubcoreMesh(
    core_axis_name="c", subcore_axis_name="s", num_cores=NC, num_subcores=NS
)


@functools.partial(
    pl.kernel,
    out_type=(
        jax.ShapeDtypeStruct((NG * B,), jnp.float32),
        jax.ShapeDtypeStruct((NG * B,), jnp.float32),
    ),
    mesh=_mesh,
    scratch_types=[
        pltpu.VMEM((VCH, BL), jnp.float32),
        pltpu.VMEM((VCH, BL), jnp.float32),
        pltpu.VMEM((BL,), jnp.float32),
        pltpu.VMEM((BL,), jnp.float32),
        pltpu.SemaphoreType.DMA,
        pltpu.SemaphoreType.DMA,
    ],
)
def _topk_kernel(xt_hbm, m1_hbm, m2_hbm, bufa, bufb, m1_v, m2_v, sa, sb):
    wid = lax.axis_index("s") * NC + lax.axis_index("c")
    jb = wid % NB
    gs = wid // NB
    v_lo = gs * SW
    b_lo = jb * BL

    def start(k, buf, sem):
        pltpu.make_async_copy(
            xt_hbm.at[
                pl.ds(pl.multiple_of(v_lo + k * VCH, 8), VCH),
                pl.ds(pl.multiple_of(b_lo, 128), BL),
            ],
            buf, sem,
        ).start()

    def wait(buf, sem):
        pltpu.make_async_copy(
            xt_hbm.at[pl.ds(0, VCH), pl.ds(0, BL)], buf, sem
        ).wait()

    start(0, bufa, sa)
    start(1, bufb, sb)

    def do_chunk(k, buf, sem, m1s, m2s):
        wait(buf, sem)

        def hot(i, carry):
            a = list(carry[:8])
            b = list(carry[8:])
            for u in range(8):
                x = buf[i, pl.ds(u * L, L)]
                b[u] = jnp.maximum(b[u], jnp.minimum(a[u], x))
                a[u] = jnp.maximum(a[u], x)
            return tuple(a) + tuple(b)

        out = lax.fori_loop(0, VCH, hot, tuple(m1s) + tuple(m2s), unroll=4)

        @pl.when(k + 2 < NCHK)
        def _():
            start(k + 2, buf, sem)

        return list(out[:8]), list(out[8:])

    neg = jnp.full((L,), NEG, jnp.float32)
    init = tuple(neg for _ in range(16))

    def pair(m, carry):
        m1s, m2s = list(carry[:8]), list(carry[8:])
        m1s, m2s = do_chunk(2 * m, bufa, sa, m1s, m2s)
        m1s, m2s = do_chunk(2 * m + 1, bufb, sb, m1s, m2s)
        return tuple(m1s) + tuple(m2s)

    fin = lax.fori_loop(0, NCHK // 2, pair, init)
    m1s, m2s = list(fin[:8]), list(fin[8:])
    m1s, m2s = do_chunk(NCHK - 1, bufa, sa, m1s, m2s)

    for u in range(8):
        m1_v[pl.ds(u * L, L)] = m1s[u]
        m2_v[pl.ds(u * L, L)] = m2s[u]
    pltpu.sync_copy(m1_v, m1_hbm.at[pl.ds(gs * B + b_lo, BL)])
    pltpu.sync_copy(m2_v, m2_hbm.at[pl.ds(gs * B + b_lo, BL)])


def _tc_body(x_ref, m1_ref, m2_ref):
    @pl.when(pl.program_id(0) == 0)
    def _():
        m1_ref[...] = jnp.full((B,), NEG, jnp.float32)
        m2_ref[...] = jnp.full((B,), NEG, jnp.float32)

    def row(i, carry):
        a, b = carry
        x = x_ref[i, :]
        b = jnp.maximum(b, jnp.minimum(a, x))
        a = jnp.maximum(a, x)
        return a, b

    a, b = lax.fori_loop(
        0, CHT, row, (m1_ref[...], m2_ref[...]), unroll=8
    )
    m1_ref[...] = a
    m2_ref[...] = b


_tc_topk = pl.pallas_call(
    _tc_body,
    grid=(NTC,),
    in_specs=[pl.BlockSpec((CHT, B), lambda i: (VS // CHT + i, 0))],
    out_specs=(
        pl.BlockSpec((B,), lambda i: (0,)),
        pl.BlockSpec((B,), lambda i: (0,)),
    ),
    out_shape=(
        jax.ShapeDtypeStruct((B,), jnp.float32),
        jax.ShapeDtypeStruct((B,), jnp.float32),
    ),
)


def _comb_body(m1_ref, m2_ref, m1t_ref, m2t_ref, c_ref, o_ref):
    M1 = m1_ref[pl.ds(0, B)]
    M2 = m2_ref[pl.ds(0, B)]
    for gs in range(1, NG):
        B1 = m1_ref[pl.ds(gs * B, B)]
        B2 = m2_ref[pl.ds(gs * B, B)]
        M2 = jnp.maximum(jnp.minimum(M1, B1), jnp.maximum(M2, B2))
        M1 = jnp.maximum(M1, B1)
    B1 = m1t_ref[...]
    B2 = m2t_ref[...]
    M2 = jnp.maximum(jnp.minimum(M1, B1), jnp.maximum(M2, B2))
    M1 = jnp.maximum(M1, B1)
    c = c_ref[...]
    o_ref[...] = c - jnp.where(c == M1, M2, M1)


_tc_combine = pl.pallas_call(
    _comb_body,
    out_shape=jax.ShapeDtypeStruct((B,), jnp.float32),
)


def kernel(inputs, targets):
    tg = targets.astype(jnp.int32)
    xt = inputs.T
    cls = jnp.take_along_axis(inputs, tg[:, None], axis=1)[:, 0]
    m1, m2 = _topk_kernel(xt)
    m1t, m2t = _tc_topk(xt)
    return _tc_combine(m1, m2, m1t, m2t, cls)

# --- scband reference (transcript-rebuilt; emitter-appended) ---
"""Pipeline reference for scband-ll-7730941132961 (READ-ONLY COPY).

The authoritative reference and input builder live on the scoring server;
editing this copy changes nothing except your own understanding.
"""

import jax, jax.numpy as jnp
import numpy as np

B = 1024
V = 100000

def setup_inputs(seed: int = 0) -> dict:
    key = jax.random.key(seed)
    k1, k2 = jax.random.split(key)
    inputs = jax.random.normal(k1, (B, V), dtype=jnp.float32)
    targets = jax.random.randint(k2, (B,), 0, V, dtype=jnp.int64 if jax.config.read('jax_enable_x64') else jnp.int32)
    return {"inputs": inputs, "targets": targets}

def reference(inputs, targets):
    # labels_infhot: zeros with +inf scattered at target class per row
    rows = jnp.arange(inputs.shape[0])
    labels_infhot = jnp.zeros_like(inputs).at[rows, targets].set(jnp.inf)
    # class_logits = gather target-class logit per row
    class_logits = inputs[rows, targets]
    # other_logits = max over all non-target classes (target position becomes -inf)
    other_logits = jnp.max(inputs - labels_infhot, axis=1)
    return class_logits - other_logits

if __name__ == "__main__":
    import jax
    _d = setup_inputs()
    print(jax.jit(kernel)(*tuple(_d.values())))

</pallas_src>

<mosaic_0001>
#map = affine_map<(d0, d1) -> (0, 0)>
#map1 = affine_map<(d0, d1) -> (0)>
module attributes {stable_mosaic.version = 14 : i64} {
  func.func @_topk_kernel(%arg0: i32, %arg1: i32, %arg2: memref<100000x1024xf32, #tpu.memory_space<hbm>>, %arg3: memref<4096xf32, #tpu.memory_space<hbm>>, %arg4: memref<4096xf32, #tpu.memory_space<hbm>>, %arg5: memref<240x128xf32, #tpu.memory_space<vmem>>, %arg6: memref<240x128xf32, #tpu.memory_space<vmem>>, %arg7: memref<128xf32, #tpu.memory_space<vmem>>, %arg8: memref<128xf32, #tpu.memory_space<vmem>>, %arg9: memref<!tpu.dma_semaphore, #tpu.memory_space<semaphore_mem>>, %arg10: memref<!tpu.dma_semaphore, #tpu.memory_space<semaphore_mem>>) attributes {dimension_semantics = [#tpu.dimension_semantics<core_parallel>, #tpu.dimension_semantics<subcore_parallel>], iteration_bounds = array<i64: 2, 16>, scalar_prefetch = 0 : i64, scratch_operands = 6 : i64, tpu.core_type = #tpu.core_type<sc_vector_subcore>, window_params = [{transform_indices = #map}, {transform_indices = #map1}, {transform_indices = #map1}]} {
    %mul3A = arith.constant 2 : i32
    %mul3A_0 = arith.muli %arg1, %mul3A : i32
    %add3A = arith.addi %mul3A_0, %arg0 : i32
    %jit3A = arith.constant 8 : i32
    %eq3A = arith.constant 0 : i32
    %eq3A_1 = arith.cmpi eq, %jit3A, %eq3A : i32
    %jit3A_2 = arith.constant 1 : i32
    %select_n3A = arith.select %eq3A_1, %jit3A_2, %jit3A : i32
    %rem3A = arith.remsi %add3A, %select_n3A : i32
    %ne3A = arith.constant 0 : i32
    %ne3A_3 = arith.cmpi ne, %rem3A, %ne3A : i32
    %lt3A = arith.constant 0 : i32
    %lt3A_4 = arith.cmpi slt, %rem3A, %lt3A : i32
    %lt3A_5 = arith.constant 0 : i32
    %lt3A_6 = arith.cmpi slt, %select_n3A, %lt3A_5 : i32
    %ne3A_7 = arith.xori %lt3A_4, %lt3A_6 : i1
    %and3A = arith.andi %ne3A_7, %ne3A_3 : i1
    %add3A_8 = arith.addi %rem3A, %select_n3A : i32
    %select_n3A_9 = arith.select %and3A, %add3A_8, %rem3A : i32
    %jit3A_10 = arith.constant 8 : i32
    %div3A = arith.divsi %add3A, %jit3A_10 : i32
    %sign3A = arith.constant 0 : i32
    %sign3A_11 = arith.cmpi sgt, %add3A, %sign3A : i32
    %sign3A_12 = arith.extui %sign3A_11 : i1 to i32
    %sign3A_13 = arith.constant 0 : i32
    %sign3A_14 = arith.cmpi slt, %add3A, %sign3A_13 : i32
    %sign3A_15 = arith.extui %sign3A_14 : i1 to i32
    %sign3A_16 = arith.subi %sign3A_12, %sign3A_15 : i32
    %sign3A_17 = arith.constant 0 : i32
    %sign3A_18 = arith.cmpi sgt, %jit3A_10, %sign3A_17 : i32
    %sign3A_19 = arith.extui %sign3A_18 : i1 to i32
    %sign3A_20 = arith.constant 0 : i32
    %sign3A_21 = arith.cmpi slt, %jit3A_10, %sign3A_20 : i32
    %sign3A_22 = arith.extui %sign3A_21 : i1 to i32
    %sign3A_23 = arith.subi %sign3A_19, %sign3A_22 : i32
    %ne3A_24 = arith.cmpi ne, %sign3A_16, %sign3A_23 : i32
    %rem3A_25 = arith.remsi %add3A, %jit3A_10 : i32
    %ne3A_26 = arith.constant 0 : i32
    %ne3A_27 = arith.cmpi ne, %rem3A_25, %ne3A_26 : i32
    %and3A_28 = arith.andi %ne3A_24, %ne3A_27 : i1
    %sub3A = arith.constant 1 : i32
    %sub3A_29 = arith.subi %div3A, %sub3A : i32
    %select_n3A_30 = arith.select %and3A_28, %sub3A_29, %div3A : i32
    %mul3A_31 = arith.constant 15600 : i32
    %mul3A_32 = arith.muli %select_n3A_30, %mul3A_31 : i32
    %mul3A_33 = arith.constant 128 : i32
    %mul3A_34 = arith.muli %select_n3A_9, %mul3A_33 : i32
    %add3A_35 = arith.constant 0 : i32
    %add3A_36 = arith.addi %mul3A_32, %add3A_35 : i32
    %multiple_of3A = tpu.assume_multiple %add3A_36, 8 : i32
    %multiple_of3A_37 = tpu.assume_multiple %mul3A_34, 128 : i32
    %dma_start3A = tpu.memref_slice %arg2[%multiple_of3A, %multiple_of3A_37] : memref<100000x1024xf32, #tpu.memory_space<hbm>> -> memref<240x128xf32, #tpu.memory_space<hbm>>
    %dma_start3A_38 = tpu.memref_slice %arg2[%multiple_of3A, %multiple_of3A_37] : memref<100000x1024xf32, #tpu.memory_space<hbm>> -> memref<240x128xf32, #tpu.memory_space<hbm>>
    tpu.enqueue_dma source(%dma_start3A_38 : memref<240x128xf32, #tpu.memory_space<hbm>>) target(%arg5 : memref<240x128xf32, #tpu.memory_space<vmem>>) target_semaphore(%arg9 : memref<!tpu.dma_semaphore, #tpu.memory_space<semaphore_mem>>)
    %add3A_39 = arith.constant 240 : i32
    %add3A_40 = arith.addi %mul3A_32, %add3A_39 : i32
    %multiple_of3A_41 = tpu.assume_multiple %add3A_40, 8 : i32
    %multiple_of3A_42 = tpu.assume_multiple %mul3A_34, 128 : i32
    %dma_start3A_43 = tpu.memref_slice %arg2[%multiple_of3A_41, %multiple_of3A_42] : memref<100000x1024xf32, #tpu.memory_space<hbm>> -> memref<240x128xf32, #tpu.memory_space<hbm>>
    %dma_start3A_44 = tpu.memref_slice %arg2[%multiple_of3A_41, %multiple_of3A_42] : memref<100000x1024xf32, #tpu.memory_space<hbm>> -> memref<240x128xf32, #tpu.memory_space<hbm>>
    tpu.enqueue_dma source(%dma_start3A_44 : memref<240x128xf32, #tpu.memory_space<hbm>>) target(%arg6 : memref<240x128xf32, #tpu.memory_space<vmem>>) target_semaphore(%arg10 : memref<!tpu.dma_semaphore, #tpu.memory_space<semaphore_mem>>)
    %broadcast_in_dim3A = arith.constant 0xFF800000 : f32
    %broadcast_in_dim3A_45 = vector.broadcast %broadcast_in_dim3A : f32 to vector<16xf32>
    %scan3A = arith.constant 0 : i32
    %scan3A_46 = arith.constant 32 : i32
    %scan3A_47 = arith.addi %scan3A, %scan3A_46 : i32
    %scan3A_48 = arith.constant 1 : i32
    %scan3A_49:16 = scf.for %scan3A_131 = %scan3A to %scan3A_47 step %scan3A_48 iter_args(%scan3A_132 = %broadcast_in_dim3A_45, %scan3A_133 = %broadcast_in_dim3A_45, %scan3A_134 = %broadcast_in_dim3A_45, %scan3A_135 = %broadcast_in_dim3A_45, %scan3A_136 = %broadcast_in_dim3A_45, %scan3A_137 = %broadcast_in_dim3A_45, %scan3A_138 = %broadcast_in_dim3A_45, %scan3A_139 = %broadcast_in_dim3A_45, %scan3A_140 = %broadcast_in_dim3A_45, %scan3A_141 = %broadcast_in_dim3A_45, %scan3A_142 = %broadcast_in_dim3A_45, %scan3A_143 = %broadcast_in_dim3A_45, %scan3A_144 = %broadcast_in_dim3A_45, %scan3A_145 = %broadcast_in_dim3A_45, %scan3A_146 = %broadcast_in_dim3A_45, %scan3A_147 = %broadcast_in_dim3A_45) -> (vector<16xf32>, vector<16xf32>, vector<16xf32>, vector<16xf32>, vector<16xf32>, vector<16xf32>, vector<16xf32>, vector<16xf32>, vector<16xf32>, vector<16xf32>, vector<16xf32>, vector<16xf32>, vector<16xf32>, vector<16xf32>, vector<16xf32>, vector<16xf32>)  : i32 {
      %mul3A_148 = arith.constant 2 : i32
      %mul3A_149 = arith.muli %mul3A_148, %scan3A_131 : i32
      %dma_wait3A_150 = arith.constant 0 : i32
      %dma_wait3A_151 = arith.constant 0 : i32
      %dma_wait3A_152 = tpu.memref_slice %arg2[%dma_wait3A_150, %dma_wait3A_151] : memref<100000x1024xf32, #tpu.memory_space<hbm>> -> memref<240x128xf32, #tpu.memory_space<hbm>>
      %dma_wait3A_153 = arith.constant 0 : i32
      %dma_wait3A_154 = arith.constant 0 : i32
      %dma_wait3A_155 = tpu.memref_slice %arg2[%dma_wait3A_153, %dma_wait3A_154] : memref<100000x1024xf32, #tpu.memory_space<hbm>> -> memref<240x128xf32, #tpu.memory_space<hbm>>
      tpu.wait_dma2 semaphore(%arg9 : memref<!tpu.dma_semaphore, #tpu.memory_space<semaphore_mem>>) src(%dma_wait3A_155 : memref<240x128xf32, #tpu.memory_space<hbm>>) dst(%arg5 : memref<240x128xf32, #tpu.memory_space<vmem>>)
      %scan3A_156 = arith.constant 0 : i32
      %scan3A_157 = arith.constant 240 : i32
      %scan3A_158 = arith.addi %scan3A_156, %scan3A_157 : i32
      %scan3A_159 = arith.constant 4 : i32
      %scan3A_160:16 = scf.for %scan3A_190 = %scan3A_156 to %scan3A_158 step %scan3A_159 iter_args(%scan3A_191 = %scan3A_132, %scan3A_192 = %scan3A_133, %scan3A_193 = %scan3A_134, %scan3A_194 = %scan3A_135, %scan3A_195 = %scan3A_136, %scan3A_196 = %scan3A_137, %scan3A_197 = %scan3A_138, %scan3A_198 = %scan3A_139, %scan3A_199 = %scan3A_140, %scan3A_200 = %scan3A_141, %scan3A_201 = %scan3A_142, %scan3A_202 = %scan3A_143, %scan3A_203 = %scan3A_144, %scan3A_204 = %scan3A_145, %scan3A_205 = %scan3A_146, %scan3A_206 = %scan3A_147) -> (vector<16xf32>, vector<16xf32>, vector<16xf32>, vector<16xf32>, vector<16xf32>, vector<16xf32>, vector<16xf32>, vector<16xf32>, vector<16xf32>, vector<16xf32>, vector<16xf32>, vector<16xf32>, vector<16xf32>, vector<16xf32>, vector<16xf32>, vector<16xf32>)  : i32 {
        %get3A = arith.index_cast %scan3A_190 : i32 to index
        %get3A_207 = arith.constant 0 : index
        %get3A_208 = tpu.vector_load %arg5[%get3A, %get3A_207] {strides = array<i32>} : memref<240x128xf32, #tpu.memory_space<vmem>>, vector<1x16xf32>,
        %get3A_209 = vector.shape_cast %get3A_208 : vector<1x16xf32> to vector<16xf32>
        %min3A = arith.minimumf %scan3A_191, %get3A_209 : vector<16xf32>
        %max3A = arith.maximumf %scan3A_199, %min3A : vector<16xf32>
        %max3A_210 = arith.maximumf %scan3A_191, %get3A_209 : vector<16xf32>
        %get3A_211 = arith.index_cast %scan3A_190 : i32 to index
        %get3A_212 = arith.constant 16 : index
        %get3A_213 = tpu.vector_load %arg5[%get3A_211, %get3A_212] {strides = array<i32>} : memref<240x128xf32, #tpu.memory_space<vmem>>, vector<1x16xf32>,
        %get3A_214 = vector.shape_cast %get3A_213 : vector<1x16xf32> to vector<16xf32>
        %min3A_215 = arith.minimumf %scan3A_192, %get3A_214 : vector<16xf32>
        %max3A_216 = arith.maximumf %scan3A_200, %min3A_215 : vector<16xf32>
        %max3A_217 = arith.maximumf %scan3A_192, %get3A_214 : vector<16xf32>
        %get3A_218 = arith.index_cast %scan3A_190 : i32 to index
        %get3A_219 = arith.constant 32 : index
        %get3A_220 = tpu.vector_load %arg5[%get3A_218, %get3A_219] {strides = array<i32>} : memref<240x128xf32, #tpu.memory_space<vmem>>, vector<1x16xf32>,
        %get3A_221 = vector.shape_cast %get3A_220 : vector<1x16xf32> to vector<16xf32>
        %min3A_222 = arith.minimumf %scan3A_193, %get3A_221 : vector<16xf32>
        %max3A_223 = arith.maximumf %scan3A_201, %min3A_222 : vector<16xf32>
        %max3A_224 = arith.maximumf %scan3A_193, %get3A_221 : vector<16xf32>
        %get3A_225 = arith.index_cast %scan3A_190 : i32 to index
        %get3A_226 = arith.constant 48 : index
        %get3A_227 = tpu.vector_load %arg5[%get3A_225, %get3A_226] {strides = array<i32>} : memref<240x128xf32, #tpu.memory_space<vmem>>, vector<1x16xf32>,
        %get3A_228 = vector.shape_cast %get3A_227 : vector<1x16xf32> to vector<16xf32>
        %min3A_229 = arith.minimumf %scan3A_194, %get3A_228 : vector<16xf32>
        %max3A_230 = arith.maximumf %scan3A_202, %min3A_229 : vector<16xf32>
        %max3A_231 = arith.maximumf %scan3A_194, %get3A_228 : vector<16xf32>
        %get3A_232 = arith.index_cast %scan3A_190 : i32 to index
        %get3A_233 = arith.constant 64 : index
        %get3A_234 = tpu.vector_load %arg5[%get3A_232, %get3A_233] {strides = array<i32>} : memref<240x128xf32, #tpu.memory_space<vmem>>, vector<1x16xf32>,
        %get3A_235 = vector.shape_cast %get3A_234 : vector<1x16xf32> to vector<16xf32>
        %min3A_236 = arith.minimumf %scan3A_195, %get3A_235 : vector<16xf32>
        %max3A_237 = arith.maximumf %scan3A_203, %min3A_236 : vector<16xf32>
        %max3A_238 = arith.maximumf %scan3A_195, %get3A_235 : vector<16xf32>
        %get3A_239 = arith.index_cast %scan3A_190 : i32 to index
        %get3A_240 = arith.constant 80 : index
        %get3A_241 = tpu.vector_load %arg5[%get3A_239, %get3A_240] {strides = array<i32>} : memref<240x128xf32, #tpu.memory_space<vmem>>, vector<1x16xf32>,
        %get3A_242 = vector.shape_cast %get3A_241 : vector<1x16xf32> to vector<16xf32>
        %min3A_243 = arith.minimumf %scan3A_196, %get3A_242 : vector<16xf32>
        %max3A_244 = arith.maximumf %scan3A_204, %min3A_243 : vector<16xf32>
        %max3A_245 = arith.maximumf %scan3A_196, %get3A_242 : vector<16xf32>
        %get3A_246 = arith.index_cast %scan3A_190 : i32 to index
        %get3A_247 = arith.constant 96 : index
        %get3A_248 = tpu.vector_load %arg5[%get3A_246, %get3A_247] {strides = array<i32>} : memref<240x128xf32, #tpu.memory_space<vmem>>, vector<1x16xf32>,
        %get3A_249 = vector.shape_cast %get3A_248 : vector<1x16xf32> to vector<16xf32>
        %min3A_250 = arith.minimumf %scan3A_197, %get3A_249 : vector<16xf32>
        %max3A_251 = arith.maximumf %scan3A_205, %min3A_250 : vector<16xf32>
        %max3A_252 = arith.maximumf %scan3A_197, %get3A_249 : vector<16xf32>
        %get3A_253 = arith.index_cast %scan3A_190 : i32 to index
        %get3A_254 = arith.constant 112 : index
        %get3A_255 = tpu.vector_load %arg5[%get3A_253, %get3A_254] {strides = array<i32>} : memref<240x128xf32, #tpu.memory_space<vmem>>, vector<1x16xf32>,
        %get3A_256 = vector.shape_cast %get3A_255 : vector<1x16xf32> to vector<16xf32>
        %min3A_257 = arith.minimumf %scan3A_198, %get3A_256 : vector<16xf32>
        %max3A_258 = arith.maximumf %scan3A_206, %min3A_257 : vector<16xf32>
        %max3A_259 = arith.maximumf %scan3A_198, %get3A_256 : vector<16xf32>
        %scan3A_260 = arith.constant 1 : i32
        %scan3A_261 = arith.addi %scan3A_190, %scan3A_260 : i32
        %get3A_262 = arith.index_cast %scan3A_261 : i32 to index
        %get3A_263 = arith.constant 0 : index
        %get3A_264 = tpu.vector_load %arg5[%get3A_262, %get3A_263] {strides = array<i32>} : memref<240x128xf32, #tpu.memory_space<vmem>>, vector<1x16xf32>,
        %get3A_265 = vector.shape_cast %get3A_264 : vector<1x16xf32> to vector<16xf32>
        %min3A_266 = arith.minimumf %max3A_210, %get3A_265 : vector<16xf32>
        %max3A_267 = arith.maximumf %max3A, %min3A_266 : vector<16xf32>
        %max3A_268 = arith.maximumf %max3A_210, %get3A_265 : vector<16xf32>
        %get3A_269 = arith.index_cast %scan3A_261 : i32 to index
        %get3A_270 = arith.constant 16 : index
        %get3A_271 = tpu.vector_load %arg5[%get3A_269, %get3A_270] {strides = array<i32>} : memref<240x128xf32, #tpu.memory_space<vmem>>, vector<1x16xf32>,
        %get3A_272 = vector.shape_cast %get3A_271 : vector<1x16xf32> to vector<16xf32>
        %min3A_273 = arith.minimumf %max3A_217, %get3A_272 : vector<16xf32>
        %max3A_274 = arith.maximumf %max3A_216, %min3A_273 : vector<16xf32>
        %max3A_275 = arith.maximumf %max3A_217, %get3A_272 : vector<16xf32>
        %get3A_276 = arith.index_cast %scan3A_261 : i32 to index
        %get3A_277 = arith.constant 32 : index
        %get3A_278 = tpu.vector_load %arg5[%get3A_276, %get3A_277] {strides = array<i32>} : memref<240x128xf32, #tpu.memory_space<vmem>>, vector<1x16xf32>,
        %get3A_279 = vector.shape_cast %get3A_278 : vector<1x16xf32> to vector<16xf32>
        %min3A_280 = arith.minimumf %max3A_224, %get3A_279 : vector<16xf32>
        %max3A_281 = arith.maximumf %max3A_223, %min3A_280 : vector<16xf32>
        %max3A_282 = arith.maximumf %max3A_224, %get3A_279 : vector<16xf32>
        %get3A_283 = arith.index_cast %scan3A_261 : i32 to index
        %get3A_284 = arith.constant 48 : index
        %get3A_285 = tpu.vector_load %arg5[%get3A_283, %get3A_284] {strides = array<i32>} : memref<240x128xf32, #tpu.memory_space<vmem>>, vector<1x16xf32>,
        %get3A_286 = vector.shape_cast %get3A_285 : vector<1x16xf32> to vector<16xf32>
        %min3A_287 = arith.minimumf %max3A_231, %get3A_286 : vector<16xf32>
        %max3A_288 = arith.maximumf %max3A_230, %min3A_287 : vector<16xf32>
        %max3A_289 = arith.maximumf %max3A_231, %get3A_286 : vector<16xf32>
        %get3A_290 = arith.index_cast %scan3A_261 : i32 to index
        %get3A_291 = arith.constant 64 : index
        %get3A_292 = tpu.vector_load %arg5[%get3A_290, %get3A_291] {strides = array<i32>} : memref<240x128xf32, #tpu.memory_space<vmem>>, vector<1x16xf32>,
        %get3A_293 = vector.shape_cast %get3A_292 : vector<1x16xf32> to vector<16xf32>
        %min3A_294 = arith.minimumf %max3A_238, %get3A_293 : vector<16xf32>
        %max3A_295 = arith.maximumf %max3A_237, %min3A_294 : vector<16xf32>
        %max3A_296 = arith.maximumf %max3A_238, %get3A_293 : vector<16xf32>
        %get3A_297 = arith.index_cast %scan3A_261 : i32 to index
        %get3A_298 = arith.constant 80 : index
        %get3A_299 = tpu.vector_load %arg5[%get3A_297, %get3A_298] {strides = array<i32>} : memref<240x128xf32, #tpu.memory_space<vmem>>, vector<1x16xf32>,
        %get3A_300 = vector.shape_cast %get3A_299 : vector<1x16xf32> to vector<16xf32>
        %min3A_301 = arith.minimumf %max3A_245, %get3A_300 : vector<16xf32>
        %max3A_302 = arith.maximumf %max3A_244, %min3A_301 : vector<16xf32>
        %max3A_303 = arith.maximumf %max3A_245, %get3A_300 : vector<16xf32>
        %get3A_304 = arith.index_cast %scan3A_261 : i32 to index
        %get3A_305 = arith.constant 96 : index
        %get3A_306 = tpu.vector_load %arg5[%get3A_304, %get3A_305] {strides = array<i32>} : memref<240x128xf32, #tpu.memory_space<vmem>>, vector<1x16xf32>,
        %get3A_307 = vector.shape_cast %get3A_306 : vector<1x16xf32> to vector<16xf32>
        %min3A_308 = arith.minimumf %max3A_252, %get3A_307 : vector<16xf32>
        %max3A_309 = arith.maximumf %max3A_251, %min3A_308 : vector<16xf32>
        %max3A_310 = arith.maximumf %max3A_252, %get3A_307 : vector<16xf32>
        %get3A_311 = arith.index_cast %scan3A_261 : i32 to index
        %get3A_312 = arith.constant 112 : index
        %get3A_313 = tpu.vector_load %arg5[%get3A_311, %get3A_312] {strides = array<i32>} : memref<240x128xf32, #tpu.memory_space<vmem>>, vector<1x16xf32>,
        %get3A_314 = vector.shape_cast %get3A_313 : vector<1x16xf32> to vector<16xf32>
        %min3A_315 = arith.minimumf %max3A_259, %get3A_314 : vector<16xf32>
        %max3A_316 = arith.maximumf %max3A_258, %min3A_315 : vector<16xf32>
        %max3A_317 = arith.maximumf %max3A_259, %get3A_314 : vector<16xf32>
        %scan3A_318 = arith.constant 2 : i32
        %scan3A_319 = arith.addi %scan3A_190, %scan3A_318 : i32
        %get3A_320 = arith.index_cast %scan3A_319 : i32 to index
        %get3A_321 = arith.constant 0 : index
        %get3A_322 = tpu.vector_load %arg5[%get3A_320, %get3A_321] {strides = array<i32>} : memref<240x128xf32, #tpu.memory_space<vmem>>, vector<1x16xf32>,
        %get3A_323 = vector.shape_cast %get3A_322 : vector<1x16xf32> to vector<16xf32>
        %min3A_324 = arith.minimumf %max3A_268, %get3A_323 : vector<16xf32>
        %max3A_325 = arith.maximumf %max3A_267, %min3A_324 : vector<16xf32>
        %max3A_326 = arith.maximumf %max3A_268, %get3A_323 : vector<16xf32>
        %get3A_327 = arith.index_cast %scan3A_319 : i32 to index
        %get3A_328 = arith.constant 16 : index
        %get3A_329 = tpu.vector_load %arg5[%get3A_327, %get3A_328] {strides = array<i32>} : memref<240x128xf32, #tpu.memory_space<vmem>>, vector<1x16xf32>,
        %get3A_330 = vector.shape_cast %get3A_329 : vector<1x16xf32> to vector<16xf32>
        %min3A_331 = arith.minimumf %max3A_275, %get3A_330 : vector<16xf32>
        %max3A_332 = arith.maximumf %max3A_274, %min3A_331 : vector<16xf32>
        %max3A_333 = arith.maximumf %max3A_275, %get3A_330 : vector<16xf32>
        %get3A_334 = arith.index_cast %scan3A_319 : i32 to index
        %get3A_335 = arith.constant 32 : index
        %get3A_336 = tpu.vector_load %arg5[%get3A_334, %get3A_335] {strides = array<i32>} : memref<240x128xf32, #tpu.memory_space<vmem>>, vector<1x16xf32>,
        %get3A_337 = vector.shape_cast %get3A_336 : vector<1x16xf32> to vector<16xf32>
        %min3A_338 = arith.minimumf %max3A_282, %get3A_337 : vector<16xf32>
        %max3A_339 = arith.maximumf %max3A_281, %min3A_338 : vector<16xf32>
        %max3A_340 = arith.maximumf %max3A_282, %get3A_337 : vector<16xf32>
        %get3A_341 = arith.index_cast %scan3A_319 : i32 to index
        %get3A_342 = arith.constant 48 : index
        %get3A_343 = tpu.vector_load %arg5[%get3A_341, %get3A_342] {strides = array<i32>} : memref<240x128xf32, #tpu.memory_space<vmem>>, vector<1x16xf32>,
        %get3A_344 = vector.shape_cast %get3A_343 : vector<1x16xf32> to vector<16xf32>
        %min3A_345 = arith.minimumf %max3A_289, %get3A_344 : vector<16xf32>
        %max3A_346 = arith.maximumf %max3A_288, %min3A_345 : vector<16xf32>
        %max3A_347 = arith.maximumf %max3A_289, %get3A_344 : vector<16xf32>
        %get3A_348 = arith.index_cast %scan3A_319 : i32 to index
        %get3A_349 = arith.constant 64 : index
        %get3A_350 = tpu.vector_load %arg5[%get3A_348, %get3A_349] {strides = array<i32>} : memref<240x128xf32, #tpu.memory_space<vmem>>, vector<1x16xf32>,
        %get3A_351 = vector.shape_cast %get3A_350 : vector<1x16xf32> to vector<16xf32>
        %min3A_352 = arith.minimumf %max3A_296, %get3A_351 : vector<16xf32>
        %max3A_353 = arith.maximumf %max3A_295, %min3A_352 : vector<16xf32>
        %max3A_354 = arith.maximumf %max3A_296, %get3A_351 : vector<16xf32>
        %get3A_355 = arith.index_cast %scan3A_319 : i32 to index
        %get3A_356 = arith.constant 80 : index
        %get3A_357 = tpu.vector_load %arg5[%get3A_355, %get3A_356] {strides = array<i32>} : memref<240x128xf32, #tpu.memory_space<vmem>>, vector<1x16xf32>,
        %get3A_358 = vector.shape_cast %get3A_357 : vector<1x16xf32> to vector<16xf32>
        %min3A_359 = arith.minimumf %max3A_303, %get3A_358 : vector<16xf32>
        %max3A_360 = arith.maximumf %max3A_302, %min3A_359 : vector<16xf32>
        %max3A_361 = arith.maximumf %max3A_303, %get3A_358 : vector<16xf32>
        %get3A_362 = arith.index_cast %scan3A_319 : i32 to index
        %get3A_363 = arith.constant 96 : index
        %get3A_364 = tpu.vector_load %arg5[%get3A_362, %get3A_363] {strides = array<i32>} : memref<240x128xf32, #tpu.memory_space<vmem>>, vector<1x16xf32>,
        %get3A_365 = vector.shape_cast %get3A_364 : vector<1x16xf32> to vector<16xf32>
        %min3A_366 = arith.minimumf %max3A_310, %get3A_365 : vector<16xf32>
        %max3A_367 = arith.maximumf %max3A_309, %min3A_366 : vector<16xf32>
        %max3A_368 = arith.maximumf %max3A_310, %get3A_365 : vector<16xf32>
        %get3A_369 = arith.index_cast %scan3A_319 : i32 to index
        %get3A_370 = arith.constant 112 : index
        %get3A_371 = tpu.vector_load %arg5[%get3A_369, %get3A_370] {strides = array<i32>} : memref<240x128xf32, #tpu.memory_space<vmem>>, vector<1x16xf32>,
        %get3A_372 = vector.shape_cast %get3A_371 : vector<1x16xf32> to vector<16xf32>
        %min3A_373 = arith.minimumf %max3A_317, %get3A_372 : vector<16xf32>
        %max3A_374 = arith.maximumf %max3A_316, %min3A_373 : vector<16xf32>
        %max3A_375 = arith.maximumf %max3A_317, %get3A_372 : vector<16xf32>
        %scan3A_376 = arith.constant 3 : i32
        %scan3A_377 = arith.addi %scan3A_190, %scan3A_376 : i32
        %get3A_378 = arith.index_cast %scan3A_377 : i32 to index
        %get3A_379 = arith.constant 0 : index
        %get3A_380 = tpu.vector_load %arg5[%get3A_378, %get3A_379] {strides = array<i32>} : memref<240x128xf32, #tpu.memory_space<vmem>>, vector<1x16xf32>,
        %get3A_381 = vector.shape_cast %get3A_380 : vector<1x16xf32> to vector<16xf32>
        %min3A_382 = arith.minimumf %max3A_326, %get3A_381 : vector<16xf32>
        %max3A_383 = arith.maximumf %max3A_325, %min3A_382 : vector<16xf32>
        %max3A_384 = arith.maximumf %max3A_326, %get3A_381 : vector<16xf32>
        %get3A_385 = arith.index_cast %scan3A_377 : i32 to index
        %get3A_386 = arith.constant 16 : index
        %get3A_387 = tpu.vector_load %arg5[%get3A_385, %get3A_386] {strides = array<i32>} : memref<240x128xf32, #tpu.memory_space<vmem>>, vector<1x16xf32>,
        %get3A_388 = vector.shape_cast %get3A_387 : vector<1x16xf32> to vector<16xf32>
        %min3A_389 = arith.minimumf %max3A_333, %get3A_388 : vector<16xf32>
        %max3A_390 = arith.maximumf %max3A_332, %min3A_389 : vector<16xf32>
        %max3A_391 = arith.maximumf %max3A_333, %get3A_388 : vector<16xf32>
        %get3A_392 = arith.index_cast %scan3A_377 : i32 to index
        %get3A_393 = arith.constant 32 : index
        %get3A_394 = tpu.vector_load %arg5[%get3A_392, %get3A_393] {strides = array<i32>} : memref<240x128xf32, #tpu.memory_space<vmem>>, vector<1x16xf32>,
        %get3A_395 = vector.shape_cast %get3A_394 : vector<1x16xf32> to vector<16xf32>
        %min3A_396 = arith.minimumf %max3A_340, %get3A_395 : vector<16xf32>
        %max3A_397 = arith.maximumf %max3A_339, %min3A_396 : vector<16xf32>
        %max3A_398 = arith.maximumf %max3A_340, %get3A_395 : vector<16xf32>
        %get3A_399 = arith.index_cast %scan3A_377 : i32 to index
        %get3A_400 = arith.constant 48 : index
        %get3A_401 = tpu.vector_load %arg5[%get3A_399, %get3A_400] {strides = array<i32>} : memref<240x128xf32, #tpu.memory_space<vmem>>, vector<1x16xf32>,
        %get3A_402 = vector.shape_cast %get3A_401 : vector<1x16xf32> to vector<16xf32>
        %min3A_403 = arith.minimumf %max3A_347, %get3A_402 : vector<16xf32>
        %max3A_404 = arith.maximumf %max3A_346, %min3A_403 : vector<16xf32>
        %max3A_405 = arith.maximumf %max3A_347, %get3A_402 : vector<16xf32>
        %get3A_406 = arith.index_cast %scan3A_377 : i32 to index
        %get3A_407 = arith.constant 64 : index
        %get3A_408 = tpu.vector_load %arg5[%get3A_406, %get3A_407] {strides = array<i32>} : memref<240x128xf32, #tpu.memory_space<vmem>>, vector<1x16xf32>,
        %get3A_409 = vector.shape_cast %get3A_408 : vector<1x16xf32> to vector<16xf32>
        %min3A_410 = arith.minimumf %max3A_354, %get3A_409 : vector<16xf32>
        %max3A_411 = arith.maximumf %max3A_353, %min3A_410 : vector<16xf32>
        %max3A_412 = arith.maximumf %max3A_354, %get3A_409 : vector<16xf32>
        %get3A_413 = arith.index_cast %scan3A_377 : i32 to index
        %get3A_414 = arith.constant 80 : index
        %get3A_415 = tpu.vector_load %arg5[%get3A_413, %get3A_414] {strides = array<i32>} : memref<240x128xf32, #tpu.memory_space<vmem>>, vector<1x16xf32>,
        %get3A_416 = vector.shape_cast %get3A_415 : vector<1x16xf32> to vector<16xf32>
        %min3A_417 = arith.minimumf %max3A_361, %get3A_416 : vector<16xf32>
        %max3A_418 = arith.maximumf %max3A_360, %min3A_417 : vector<16xf32>
        %max3A_419 = arith.maximumf %max3A_361, %get3A_416 : vector<16xf32>
        %get3A_420 = arith.index_cast %scan3A_377 : i32 to index
        %get3A_421 = arith.constant 96 : index
        %get3A_422 = tpu.vector_load %arg5[%get3A_420, %get3A_421] {strides = array<i32>} : memref<240x128xf32, #tpu.memory_space<vmem>>, vector<1x16xf32>,
        %get3A_423 = vector.shape_cast %get3A_422 : vector<1x16xf32> to vector<16xf32>
        %min3A_424 = arith.minimumf %max3A_368, %get3A_423 : vector<16xf32>
        %max3A_425 = arith.maximumf %max3A_367, %min3A_424 : vector<16xf32>
        %max3A_426 = arith.maximumf %max3A_368, %get3A_423 : vector<16xf32>
        %get3A_427 = arith.index_cast %scan3A_377 : i32 to index
        %get3A_428 = arith.constant 112 : index
        %get3A_429 = tpu.vector_load %arg5[%get3A_427, %get3A_428] {strides = array<i32>} : memref<240x128xf32, #tpu.memory_space<vmem>>, vector<1x16xf32>,
        %get3A_430 = vector.shape_cast %get3A_429 : vector<1x16xf32> to vector<16xf32>
        %min3A_431 = arith.minimumf %max3A_375, %get3A_430 : vector<16xf32>
        %max3A_432 = arith.maximumf %max3A_374, %min3A_431 : vector<16xf32>
        %max3A_433 = arith.maximumf %max3A_375, %get3A_430 : vector<16xf32>
        scf.yield %max3A_384, %max3A_391, %max3A_398, %max3A_405, %max3A_412, %max3A_419, %max3A_426, %max3A_433, %max3A_383, %max3A_390, %max3A_397, %max3A_404, %max3A_411, %max3A_418, %max3A_425, %max3A_432 : vector<16xf32>, vector<16xf32>, vector<16xf32>, vector<16xf32>, vector<16xf32>, vector<16xf32>, vector<16xf32>, vector<16xf32>, vector<16xf32>, vector<16xf32>, vector<16xf32>, vector<16xf32>, vector<16xf32>, vector<16xf32>, vector<16xf32>, vector<16xf32>
      }
      %scan3A_161 = arith.constant 240 : i32
      %add3A_162 = arith.constant 2 : i32
      %add3A_163 = arith.addi %mul3A_149, %add3A_162 : i32
      %lt3A_164 = arith.constant 65 : i32
      %lt3A_165 = arith.cmpi slt, %add3A_163, %lt3A_164 : i32
      %convert_element_type3A = arith.extui %lt3A_165 : i1 to i32
      %cond3A = arith.constant 0 : i32
      %cond3A_166 = arith.cmpi ne, %convert_element_type3A, %cond3A : i32
      scf.if %cond3A_166 {
        %add3A_190 = arith.constant 2 : i32
        %add3A_191 = arith.addi %mul3A_149, %add3A_190 : i32
        %mul3A_192 = arith.constant 240 : i32
        %mul3A_193 = arith.muli %add3A_191, %mul3A_192 : i32
        %add3A_194 = arith.addi %mul3A_32, %mul3A_193 : i32
        %multiple_of3A_195 = tpu.assume_multiple %add3A_194, 8 : i32
        %multiple_of3A_196 = tpu.assume_multiple %mul3A_34, 128 : i32
        %dma_start3A_197 = tpu.memref_slice %arg2[%multiple_of3A_195, %multiple_of3A_196] : memref<100000x1024xf32, #tpu.memory_space<hbm>> -> memref<240x128xf32, #tpu.memory_space<hbm>>
        %dma_start3A_198 = tpu.memref_slice %arg2[%multiple_of3A_195, %multiple_of3A_196] : memref<100000x1024xf32, #tpu.memory_space<hbm>> -> memref<240x128xf32, #tpu.memory_space<hbm>>
        tpu.enqueue_dma source(%dma_start3A_198 : memref<240x128xf32, #tpu.memory_space<hbm>>) target(%arg5 : memref<240x128xf32, #tpu.memory_space<vmem>>) target_semaphore(%arg9 : memref<!tpu.dma_semaphore, #tpu.memory_space<semaphore_mem>>)
      } else {
      }
      %mul3A_167 = arith.constant 2 : i32
      %mul3A_168 = arith.muli %mul3A_167, %scan3A_131 : i32
      %add3A_169 = arith.constant 1 : i32
      %add3A_170 = arith.addi %mul3A_168, %add3A_169 : i32
      %dma_wait3A_171 = arith.constant 0 : i32
      %dma_wait3A_172 = arith.constant 0 : i32
      %dma_wait3A_173 = tpu.memref_slice %arg2[%dma_wait3A_171, %dma_wait3A_172] : memref<100000x1024xf32, #tpu.memory_space<hbm>> -> memref<240x128xf32, #tpu.memory_space<hbm>>
      %dma_wait3A_174 = arith.constant 0 : i32
      %dma_wait3A_175 = arith.constant 0 : i32
      %dma_wait3A_176 = tpu.memref_slice %arg2[%dma_wait3A_174, %dma_wait3A_175] : memref<100000x1024xf32, #tpu.memory_space<hbm>> -> memref<240x128xf32, #tpu.memory_space<hbm>>
      tpu.wait_dma2 semaphore(%arg10 : memref<!tpu.dma_semaphore, #tpu.memory_space<semaphore_mem>>) src(%dma_wait3A_176 : memref<240x128xf32, #tpu.memory_space<hbm>>) dst(%arg6 : memref<240x128xf32, #tpu.memory_space<vmem>>)
      %scan3A_177 = arith.constant 0 : i32
      %scan3A_178 = arith.constant 240 : i32
      %scan3A_179 = arith.addi %scan3A_177, %scan3A_178 : i32
      %scan3A_180 = arith.constant 4 : i32
      %scan3A_181:16 = scf.for %scan3A_190 = %scan3A_177 to %scan3A_179 step %scan3A_180 iter_args(%scan3A_191 = %scan3A_160#0, %scan3A_192 = %scan3A_160#1, %scan3A_193 = %scan3A_160#2, %scan3A_194 = %scan3A_160#3, %scan3A_195 = %scan3A_160#4, %scan3A_196 = %scan3A_160#5, %scan3A_197 = %scan3A_160#6, %scan3A_198 = %scan3A_160#7, %scan3A_199 = %scan3A_160#8, %scan3A_200 = %scan3A_160#9, %scan3A_201 = %scan3A_160#10, %scan3A_202 = %scan3A_160#11, %scan3A_203 = %scan3A_160#12, %scan3A_204 = %scan3A_160#13, %scan3A_205 = %scan3A_160#14, %scan3A_206 = %scan3A_160#15) -> (vector<16xf32>, vector<16xf32>, vector<16xf32>, vector<16xf32>, vector<16xf32>, vector<16xf32>, vector<16xf32>, vector<16xf32>, vector<16xf32>, vector<16xf32>, vector<16xf32>, vector<16xf32>, vector<16xf32>, vector<16xf32>, vector<16xf32>, vector<16xf32>)  : i32 {
        %get3A = arith.index_cast %scan3A_190 : i32 to index
        %get3A_207 = arith.constant 0 : index
        %get3A_208 = tpu.vector_load %arg6[%get3A, %get3A_207] {strides = array<i32>} : memref<240x128xf32, #tpu.memory_space<vmem>>, vector<1x16xf32>,
        %get3A_209 = vector.shape_cast %get3A_208 : vector<1x16xf32> to vector<16xf32>
        %min3A = arith.minimumf %scan3A_191, %get3A_209 : vector<16xf32>
        %max3A = arith.maximumf %scan3A_199, %min3A : vector<16xf32>
        %max3A_210 = arith.maximumf %scan3A_191, %get3A_209 : vector<16xf32>
        %get3A_211 = arith.index_cast %scan3A_190 : i32 to index
        %get3A_212 = arith.constant 16 : index
        %get3A_213 = tpu.vector_load %arg6[%get3A_211, %get3A_212] {strides = array<i32>} : memref<240x128xf32, #tpu.memory_space<vmem>>, vector<1x16xf32>,
        %get3A_214 = vector.shape_cast %get3A_213 : vector<1x16xf32> to vector<16xf32>
        %min3A_215 = arith.minimumf %scan3A_192, %get3A_214 : vector<16xf32>
        %max3A_216 = arith.maximumf %scan3A_200, %min3A_215 : vector<16xf32>
        %max3A_217 = arith.maximumf %scan3A_192, %get3A_214 : vector<16xf32>
        %get3A_218 = arith.index_cast %scan3A_190 : i32 to index
        %get3A_219 = arith.constant 32 : index
        %get3A_220 = tpu.vector_load %arg6[%get3A_218, %get3A_219] {strides = array<i32>} : memref<240x128xf32, #tpu.memory_space<vmem>>, vector<1x16xf32>,
        %get3A_221 = vector.shape_cast %get3A_220 : vector<1x16xf32> to vector<16xf32>
        %min3A_222 = arith.minimumf %scan3A_193, %get3A_221 : vector<16xf32>
        %max3A_223 = arith.maximumf %scan3A_201, %min3A_222 : vector<16xf32>
        %max3A_224 = arith.maximumf %scan3A_193, %get3A_221 : vector<16xf32>
        %get3A_225 = arith.index_cast %scan3A_190 : i32 to index
        %get3A_226 = arith.constant 48 : index
        %get3A_227 = tpu.vector_load %arg6[%get3A_225, %get3A_226] {strides = array<i32>} : memref<240x128xf32, #tpu.memory_space<vmem>>, vector<1x16xf32>,
        %get3A_228 = vector.shape_cast %get3A_227 : vector<1x16xf32> to vector<16xf32>
        %min3A_229 = arith.minimumf %scan3A_194, %get3A_228 : vector<16xf32>
        %max3A_230 = arith.maximumf %scan3A_202, %min3A_229 : vector<16xf32>
        %max3A_231 = arith.maximumf %scan3A_194, %get3A_228 : vector<16xf32>
        %get3A_232 = arith.index_cast %scan3A_190 : i32 to index
        %get3A_233 = arith.constant 64 : index
        %get3A_234 = tpu.vector_load %arg6[%get3A_232, %get3A_233] {strides = array<i32>} : memref<240x128xf32, #tpu.memory_space<vmem>>, vector<1x16xf32>,
        %get3A_235 = vector.shape_cast %get3A_234 : vector<1x16xf32> to vector<16xf32>
        %min3A_236 = arith.minimumf %scan3A_195, %get3A_235 : vector<16xf32>
        %max3A_237 = arith.maximumf %scan3A_203, %min3A_236 : vector<16xf32>
        %max3A_238 = arith.maximumf %scan3A_195, %get3A_235 : vector<16xf32>
        %get3A_239 = arith.index_cast %scan3A_190 : i32 to index
        %get3A_240 = arith.constant 80 : index
        %get3A_241 = tpu.vector_load %arg6[%get3A_239, %get3A_240] {strides = array<i32>} : memref<240x128xf32, #tpu.memory_space<vmem>>, vector<1x16xf32>,
        %get3A_242 = vector.shape_cast %get3A_241 : vector<1x16xf32> to vector<16xf32>
        %min3A_243 = arith.minimumf %scan3A_196, %get3A_242 : vector<16xf32>
        %max3A_244 = arith.maximumf %scan3A_204, %min3A_243 : vector<16xf32>
        %max3A_245 = arith.maximumf %scan3A_196, %get3A_242 : vector<16xf32>
        %get3A_246 = arith.index_cast %scan3A_190 : i32 to index
        %get3A_247 = arith.constant 96 : index
        %get3A_248 = tpu.vector_load %arg6[%get3A_246, %get3A_247] {strides = array<i32>} : memref<240x128xf32, #tpu.memory_space<vmem>>, vector<1x16xf32>,
        %get3A_249 = vector.shape_cast %get3A_248 : vector<1x16xf32> to vector<16xf32>
        %min3A_250 = arith.minimumf %scan3A_197, %get3A_249 : vector<16xf32>
        %max3A_251 = arith.maximumf %scan3A_205, %min3A_250 : vector<16xf32>
        %max3A_252 = arith.maximumf %scan3A_197, %get3A_249 : vector<16xf32>
        %get3A_253 = arith.index_cast %scan3A_190 : i32 to index
        %get3A_254 = arith.constant 112 : index
        %get3A_255 = tpu.vector_load %arg6[%get3A_253, %get3A_254] {strides = array<i32>} : memref<240x128xf32, #tpu.memory_space<vmem>>, vector<1x16xf32>,
        %get3A_256 = vector.shape_cast %get3A_255 : vector<1x16xf32> to vector<16xf32>
        %min3A_257 = arith.minimumf %scan3A_198, %get3A_256 : vector<16xf32>
        %max3A_258 = arith.maximumf %scan3A_206, %min3A_257 : vector<16xf32>
        %max3A_259 = arith.maximumf %scan3A_198, %get3A_256 : vector<16xf32>
        %scan3A_260 = arith.constant 1 : i32
        %scan3A_261 = arith.addi %scan3A_190, %scan3A_260 : i32
        %get3A_262 = arith.index_cast %scan3A_261 : i32 to index
        %get3A_263 = arith.constant 0 : index
        %get3A_264 = tpu.vector_load %arg6[%get3A_262, %get3A_263] {strides = array<i32>} : memref<240x128xf32, #tpu.memory_space<vmem>>, vector<1x16xf32>,
        %get3A_265 = vector.shape_cast %get3A_264 : vector<1x16xf32> to vector<16xf32>
        %min3A_266 = arith.minimumf %max3A_210, %get3A_265 : vector<16xf32>
        %max3A_267 = arith.maximumf %max3A, %min3A_266 : vector<16xf32>
        %max3A_268 = arith.maximumf %max3A_210, %get3A_265 : vector<16xf32>
        %get3A_269 = arith.index_cast %scan3A_261 : i32 to index
        %get3A_270 = arith.constant 16 : index
        %get3A_271 = tpu.vector_load %arg6[%get3A_269, %get3A_270] {strides = array<i32>} : memref<240x128xf32, #tpu.memory_space<vmem>>, vector<1x16xf32>,
        %get3A_272 = vector.shape_cast %get3A_271 : vector<1x16xf32> to vector<16xf32>
        %min3A_273 = arith.minimumf %max3A_217, %get3A_272 : vector<16xf32>
        %max3A_274 = arith.maximumf %max3A_216, %min3A_273 : vector<16xf32>
        %max3A_275 = arith.maximumf %max3A_217, %get3A_272 : vector<16xf32>
        %get3A_276 = arith.index_cast %scan3A_261 : i32 to index
        %get3A_277 = arith.constant 32 : index
        %get3A_278 = tpu.vector_load %arg6[%get3A_276, %get3A_277] {strides = array<i32>} : memref<240x128xf32, #tpu.memory_space<vmem>>, vector<1x16xf32>,
        %get3A_279 = vector.shape_cast %get3A_278 : vector<1x16xf32> to vector<16xf32>
        %min3A_280 = arith.minimumf %max3A_224, %get3A_279 : vector<16xf32>
        %max3A_281 = arith.maximumf %max3A_223, %min3A_280 : vector<16xf32>
        %max3A_282 = arith.maximumf %max3A_224, %get3A_279 : vector<16xf32>
        %get3A_283 = arith.index_cast %scan3A_261 : i32 to index
        %get3A_284 = arith.constant 48 : index
        %get3A_285 = tpu.vector_load %arg6[%get3A_283, %get3A_284] {strides = array<i32>} : memref<240x128xf32, #tpu.memory_space<vmem>>, vector<1x16xf32>,
        %get3A_286 = vector.shape_cast %get3A_285 : vector<1x16xf32> to vector<16xf32>
        %min3A_287 = arith.minimumf %max3A_231, %get3A_286 : vector<16xf32>
        %max3A_288 = arith.maximumf %max3A_230, %min3A_287 : vector<16xf32>
        %max3A_289 = arith.maximumf %max3A_231, %get3A_286 : vector<16xf32>
        %get3A_290 = arith.index_cast %scan3A_261 : i32 to index
        %get3A_291 = arith.constant 64 : index
        %get3A_292 = tpu.vector_load %arg6[%get3A_290, %get3A_291] {strides = array<i32>} : memref<240x128xf32, #tpu.memory_space<vmem>>, vector<1x16xf32>,
        %get3A_293 = vector.shape_cast %get3A_292 : vector<1x16xf32> to vector<16xf32>
        %min3A_294 = arith.minimumf %max3A_238, %get3A_293 : vector<16xf32>
        %max3A_295 = arith.maximumf %max3A_237, %min3A_294 : vector<16xf32>
        %max3A_296 = arith.maximumf %max3A_238, %get3A_293 : vector<16xf32>
        %get3A_297 = arith.index_cast %scan3A_261 : i32 to index
        %get3A_298 = arith.constant 80 : index
        %get3A_299 = tpu.vector_load %arg6[%get3A_297, %get3A_298] {strides = array<i32>} : memref<240x128xf32, #tpu.memory_space<vmem>>, vector<1x16xf32>,
        %get3A_300 = vector.shape_cast %get3A_299 : vector<1x16xf32> to vector<16xf32>
        %min3A_301 = arith.minimumf %max3A_245, %get3A_300 : vector<16xf32>
        %max3A_302 = arith.maximumf %max3A_244, %min3A_301 : vector<16xf32>
        %max3A_303 = arith.maximumf %max3A_245, %get3A_300 : vector<16xf32>
        %get3A_304 = arith.index_cast %scan3A_261 : i32 to index
        %get3A_305 = arith.constant 96 : index
        %get3A_306 = tpu.vector_load %arg6[%get3A_304, %get3A_305] {strides = array<i32>} : memref<240x128xf32, #tpu.memory_space<vmem>>, vector<1x16xf32>,
        %get3A_307 = vector.shape_cast %get3A_306 : vector<1x16xf32> to vector<16xf32>
        %min3A_308 = arith.minimumf %max3A_252, %get3A_307 : vector<16xf32>
        %max3A_309 = arith.maximumf %max3A_251, %min3A_308 : vector<16xf32>
        %max3A_310 = arith.maximumf %max3A_252, %get3A_307 : vector<16xf32>
        %get3A_311 = arith.index_cast %scan3A_261 : i32 to index
        %get3A_312 = arith.constant 112 : index
        %get3A_313 = tpu.vector_load %arg6[%get3A_311, %get3A_312] {strides = array<i32>} : memref<240x128xf32, #tpu.memory_space<vmem>>, vector<1x16xf32>,
        %get3A_314 = vector.shape_cast %get3A_313 : vector<1x16xf32> to vector<16xf32>
        %min3A_315 = arith.minimumf %max3A_259, %get3A_314 : vector<16xf32>
        %max3A_316 = arith.maximumf %max3A_258, %min3A_315 : vector<16xf32>
        %max3A_317 = arith.maximumf %max3A_259, %get3A_314 : vector<16xf32>
        %scan3A_318 = arith.constant 2 : i32
        %scan3A_319 = arith.addi %scan3A_190, %scan3A_318 : i32
        %get3A_320 = arith.index_cast %scan3A_319 : i32 to index
        %get3A_321 = arith.constant 0 : index
        %get3A_322 = tpu.vector_load %arg6[%get3A_320, %get3A_321] {strides = array<i32>} : memref<240x128xf32, #tpu.memory_space<vmem>>, vector<1x16xf32>,
        %get3A_323 = vector.shape_cast %get3A_322 : vector<1x16xf32> to vector<16xf32>
        %min3A_324 = arith.minimumf %max3A_268, %get3A_323 : vector<16xf32>
        %max3A_325 = arith.maximumf %max3A_267, %min3A_324 : vector<16xf32>
        %max3A_326 = arith.maximumf %max3A_268, %get3A_323 : vector<16xf32>
        %get3A_327 = arith.index_cast %scan3A_319 : i32 to index
        %get3A_328 = arith.constant 16 : index
        %get3A_329 = tpu.vector_load %arg6[%get3A_327, %get3A_328] {strides = array<i32>} : memref<240x128xf32, #tpu.memory_space<vmem>>, vector<1x16xf32>,
        %get3A_330 = vector.shape_cast %get3A_329 : vector<1x16xf32> to vector<16xf32>
        %min3A_331 = arith.minimumf %max3A_275, %get3A_330 : vector<16xf32>
        %max3A_332 = arith.maximumf %max3A_274, %min3A_331 : vector<16xf32>
        %max3A_333 = arith.maximumf %max3A_275, %get3A_330 : vector<16xf32>
        %get3A_334 = arith.index_cast %scan3A_319 : i32 to index
        %get3A_335 = arith.constant 32 : index
        %get3A_336 = tpu.vector_load %arg6[%get3A_334, %get3A_335] {strides = array<i32>} : memref<240x128xf32, #tpu.memory_space<vmem>>, vector<1x16xf32>,
        %get3A_337 = vector.shape_cast %get3A_336 : vector<1x16xf32> to vector<16xf32>
        %min3A_338 = arith.minimumf %max3A_282, %get3A_337 : vector<16xf32>
        %max3A_339 = arith.maximumf %max3A_281, %min3A_338 : vector<16xf32>
        %max3A_340 = arith.maximumf %max3A_282, %get3A_337 : vector<16xf32>
        %get3A_341 = arith.index_cast %scan3A_319 : i32 to index
        %get3A_342 = arith.constant 48 : index
        %get3A_343 = tpu.vector_load %arg6[%get3A_341, %get3A_342] {strides = array<i32>} : memref<240x128xf32, #tpu.memory_space<vmem>>, vector<1x16xf32>,
        %get3A_344 = vector.shape_cast %get3A_343 : vector<1x16xf32> to vector<16xf32>
        %min3A_345 = arith.minimumf %max3A_289, %get3A_344 : vector<16xf32>
        %max3A_346 = arith.maximumf %max3A_288, %min3A_345 : vector<16xf32>
        %max3A_347 = arith.maximumf %max3A_289, %get3A_344 : vector<16xf32>
        %get3A_348 = arith.index_cast %scan3A_319 : i32 to index
        %get3A_349 = arith.constant 64 : index
        %get3A_350 = tpu.vector_load %arg6[%get3A_348, %get3A_349] {strides = array<i32>} : memref<240x128xf32, #tpu.memory_space<vmem>>, vector<1x16xf32>,
        %get3A_351 = vector.shape_cast %get3A_350 : vector<1x16xf32> to vector<16xf32>
        %min3A_352 = arith.minimumf %max3A_296, %get3A_351 : vector<16xf32>
        %max3A_353 = arith.maximumf %max3A_295, %min3A_352 : vector<16xf32>
        %max3A_354 = arith.maximumf %max3A_296, %get3A_351 : vector<16xf32>
        %get3A_355 = arith.index_cast %scan3A_319 : i32 to index
        %get3A_356 = arith.constant 80 : index
        %get3A_357 = tpu.vector_load %arg6[%get3A_355, %get3A_356] {strides = array<i32>} : memref<240x128xf32, #tpu.memory_space<vmem>>, vector<1x16xf32>,
        %get3A_358 = vector.shape_cast %get3A_357 : vector<1x16xf32> to vector<16xf32>
        %min3A_359 = arith.minimumf %max3A_303, %get3A_358 : vector<16xf32>
        %max3A_360 = arith.maximumf %max3A_302, %min3A_359 : vector<16xf32>
        %max3A_361 = arith.maximumf %max3A_303, %get3A_358 : vector<16xf32>
        %get3A_362 = arith.index_cast %scan3A_319 : i32 to index
        %get3A_363 = arith.constant 96 : index
        %get3A_364 = tpu.vector_load %arg6[%get3A_362, %get3A_363] {strides = array<i32>} : memref<240x128xf32, #tpu.memory_space<vmem>>, vector<1x16xf32>,
        %get3A_365 = vector.shape_cast %get3A_364 : vector<1x16xf32> to vector<16xf32>
        %min3A_366 = arith.minimumf %max3A_310, %get3A_365 : vector<16xf32>
        %max3A_367 = arith.maximumf %max3A_309, %min3A_366 : vector<16xf32>
        %max3A_368 = arith.maximumf %max3A_310, %get3A_365 : vector<16xf32>
        %get3A_369 = arith.index_cast %scan3A_319 : i32 to index
        %get3A_370 = arith.constant 112 : index
        %get3A_371 = tpu.vector_load %arg6[%get3A_369, %get3A_370] {strides = array<i32>} : memref<240x128xf32, #tpu.memory_space<vmem>>, vector<1x16xf32>,
        %get3A_372 = vector.shape_cast %get3A_371 : vector<1x16xf32> to vector<16xf32>
        %min3A_373 = arith.minimumf %max3A_317, %get3A_372 : vector<16xf32>
        %max3A_374 = arith.maximumf %max3A_316, %min3A_373 : vector<16xf32>
        %max3A_375 = arith.maximumf %max3A_317, %get3A_372 : vector<16xf32>
        %scan3A_376 = arith.constant 3 : i32
        %scan3A_377 = arith.addi %scan3A_190, %scan3A_376 : i32
        %get3A_378 = arith.index_cast %scan3A_377 : i32 to index
        %get3A_379 = arith.constant 0 : index
        %get3A_380 = tpu.vector_load %arg6[%get3A_378, %get3A_379] {strides = array<i32>} : memref<240x128xf32, #tpu.memory_space<vmem>>, vector<1x16xf32>,
        %get3A_381 = vector.shape_cast %get3A_380 : vector<1x16xf32> to vector<16xf32>
        %min3A_382 = arith.minimumf %max3A_326, %get3A_381 : vector<16xf32>
        %max3A_383 = arith.maximumf %max3A_325, %min3A_382 : vector<16xf32>
        %max3A_384 = arith.maximumf %max3A_326, %get3A_381 : vector<16xf32>
        %get3A_385 = arith.index_cast %scan3A_377 : i32 to index
        %get3A_386 = arith.constant 16 : index
        %get3A_387 = tpu.vector_load %arg6[%get3A_385, %get3A_386] {strides = array<i32>} : memref<240x128xf32, #tpu.memory_space<vmem>>, vector<1x16xf32>,
        %get3A_388 = vector.shape_cast %get3A_387 : vector<1x16xf32> to vector<16xf32>
        %min3A_389 = arith.minimumf %max3A_333, %get3A_388 : vector<16xf32>
        %max3A_390 = arith.maximumf %max3A_332, %min3A_389 : vector<16xf32>
        %max3A_391 = arith.maximumf %max3A_333, %get3A_388 : vector<16xf32>
        %get3A_392 = arith.index_cast %scan3A_377 : i32 to index
        %get3A_393 = arith.constant 32 : index
        %get3A_394 = tpu.vector_load %arg6[%get3A_392, %get3A_393] {strides = array<i32>} : memref<240x128xf32, #tpu.memory_space<vmem>>, vector<1x16xf32>,
        %get3A_395 = vector.shape_cast %get3A_394 : vector<1x16xf32> to vector<16xf32>
        %min3A_396 = arith.minimumf %max3A_340, %get3A_395 : vector<16xf32>
        %max3A_397 = arith.maximumf %max3A_339, %min3A_396 : vector<16xf32>
        %max3A_398 = arith.maximumf %max3A_340, %get3A_395 : vector<16xf32>
        %get3A_399 = arith.index_cast %scan3A_377 : i32 to index
        %get3A_400 = arith.constant 48 : index
        %get3A_401 = tpu.vector_load %arg6[%get3A_399, %get3A_400] {strides = array<i32>} : memref<240x128xf32, #tpu.memory_space<vmem>>, vector<1x16xf32>,
        %get3A_402 = vector.shape_cast %get3A_401 : vector<1x16xf32> to vector<16xf32>
        %min3A_403 = arith.minimumf %max3A_347, %get3A_402 : vector<16xf32>
        %max3A_404 = arith.maximumf %max3A_346, %min3A_403 : vector<16xf32>
        %max3A_405 = arith.maximumf %max3A_347, %get3A_402 : vector<16xf32>
        %get3A_406 = arith.index_cast %scan3A_377 : i32 to index
        %get3A_407 = arith.constant 64 : index
        %get3A_408 = tpu.vector_load %arg6[%get3A_406, %get3A_407] {strides = array<i32>} : memref<240x128xf32, #tpu.memory_space<vmem>>, vector<1x16xf32>,
        %get3A_409 = vector.shape_cast %get3A_408 : vector<1x16xf32> to vector<16xf32>
        %min3A_410 = arith.minimumf %max3A_354, %get3A_409 : vector<16xf32>
        %max3A_411 = arith.maximumf %max3A_353, %min3A_410 : vector<16xf32>
        %max3A_412 = arith.maximumf %max3A_354, %get3A_409 : vector<16xf32>
        %get3A_413 = arith.index_cast %scan3A_377 : i32 to index
        %get3A_414 = arith.constant 80 : index
        %get3A_415 = tpu.vector_load %arg6[%get3A_413, %get3A_414] {strides = array<i32>} : memref<240x128xf32, #tpu.memory_space<vmem>>, vector<1x16xf32>,
        %get3A_416 = vector.shape_cast %get3A_415 : vector<1x16xf32> to vector<16xf32>
        %min3A_417 = arith.minimumf %max3A_361, %get3A_416 : vector<16xf32>
        %max3A_418 = arith.maximumf %max3A_360, %min3A_417 : vector<16xf32>
        %max3A_419 = arith.maximumf %max3A_361, %get3A_416 : vector<16xf32>
        %get3A_420 = arith.index_cast %scan3A_377 : i32 to index
        %get3A_421 = arith.constant 96 : index
        %get3A_422 = tpu.vector_load %arg6[%get3A_420, %get3A_421] {strides = array<i32>} : memref<240x128xf32, #tpu.memory_space<vmem>>, vector<1x16xf32>,
        %get3A_423 = vector.shape_cast %get3A_422 : vector<1x16xf32> to vector<16xf32>
        %min3A_424 = arith.minimumf %max3A_368, %get3A_423 : vector<16xf32>
        %max3A_425 = arith.maximumf %max3A_367, %min3A_424 : vector<16xf32>
        %max3A_426 = arith.maximumf %max3A_368, %get3A_423 : vector<16xf32>
        %get3A_427 = arith.index_cast %scan3A_377 : i32 to index
        %get3A_428 = arith.constant 112 : index
        %get3A_429 = tpu.vector_load %arg6[%get3A_427, %get3A_428] {strides = array<i32>} : memref<240x128xf32, #tpu.memory_space<vmem>>, vector<1x16xf32>,
        %get3A_430 = vector.shape_cast %get3A_429 : vector<1x16xf32> to vector<16xf32>
        %min3A_431 = arith.minimumf %max3A_375, %get3A_430 : vector<16xf32>
        %max3A_432 = arith.maximumf %max3A_374, %min3A_431 : vector<16xf32>
        %max3A_433 = arith.maximumf %max3A_375, %get3A_430 : vector<16xf32>
        scf.yield %max3A_384, %max3A_391, %max3A_398, %max3A_405, %max3A_412, %max3A_419, %max3A_426, %max3A_433, %max3A_383, %max3A_390, %max3A_397, %max3A_404, %max3A_411, %max3A_418, %max3A_425, %max3A_432 : vector<16xf32>, vector<16xf32>, vector<16xf32>, vector<16xf32>, vector<16xf32>, vector<16xf32>, vector<16xf32>, vector<16xf32>, vector<16xf32>, vector<16xf32>, vector<16xf32>, vector<16xf32>, vector<16xf32>, vector<16xf32>, vector<16xf32>, vector<16xf32>
      }
      %scan3A_182 = arith.constant 240 : i32
      %add3A_183 = arith.constant 2 : i32
      %add3A_184 = arith.addi %add3A_170, %add3A_183 : i32
      %lt3A_185 = arith.constant 65 : i32
      %lt3A_186 = arith.cmpi slt, %add3A_184, %lt3A_185 : i32
      %convert_element_type3A_187 = arith.extui %lt3A_186 : i1 to i32
      %cond3A_188 = arith.constant 0 : i32
      %cond3A_189 = arith.cmpi ne, %convert_element_type3A_187, %cond3A_188 : i32
      scf.if %cond3A_189 {
        %add3A_190 = arith.constant 2 : i32
        %add3A_191 = arith.addi %add3A_170, %add3A_190 : i32
        %mul3A_192 = arith.constant 240 : i32
        %mul3A_193 = arith.muli %add3A_191, %mul3A_192 : i32
        %add3A_194 = arith.addi %mul3A_32, %mul3A_193 : i32
        %multiple_of3A_195 = tpu.assume_multiple %add3A_194, 8 : i32
        %multiple_of3A_196 = tpu.assume_multiple %mul3A_34, 128 : i32
        %dma_start3A_197 = tpu.memref_slice %arg2[%multiple_of3A_195, %multiple_of3A_196] : memref<100000x1024xf32, #tpu.memory_space<hbm>> -> memref<240x128xf32, #tpu.memory_space<hbm>>
        %dma_start3A_198 = tpu.memref_slice %arg2[%multiple_of3A_195, %multiple_of3A_196] : memref<100000x1024xf32, #tpu.memory_space<hbm>> -> memref<240x128xf32, #tpu.memory_space<hbm>>
        tpu.enqueue_dma source(%dma_start3A_198 : memref<240x128xf32, #tpu.memory_space<hbm>>) target(%arg6 : memref<240x128xf32, #tpu.memory_space<vmem>>) target_semaphore(%arg10 : memref<!tpu.dma_semaphore, #tpu.memory_space<semaphore_mem>>)
      } else {
      }
      scf.yield %scan3A_181#0, %scan3A_181#1, %scan3A_181#2, %scan3A_181#3, %scan3A_181#4, %scan3A_181#5, %scan3A_181#6, %scan3A_181#7, %scan3A_181#8, %scan3A_181#9, %scan3A_181#10, %scan3A_181#11, %scan3A_181#12, %scan3A_181#13, %scan3A_181#14, %scan3A_181#15 : vector<16xf32>, vector<16xf32>, vector<16xf32>, vector<16xf32>, vector<16xf32>, vector<16xf32>, vector<16xf32>, vector<16xf32>, vector<16xf32>, vector<16xf32>, vector<16xf32>, vector<16xf32>, vector<16xf32>, vector<16xf32>, vector<16xf32>, vector<16xf32>
    }
    %scan3A_50 = arith.constant 32 : i32
    %dma_wait3A = arith.constant 0 : i32
    %dma_wait3A_51 = arith.constant 0 : i32
    %dma_wait3A_52 = tpu.memref_slice %arg2[%dma_wait3A, %dma_wait3A_51] : memref<100000x1024xf32, #tpu.memory_space<hbm>> -> memref<240x128xf32, #tpu.memory_space<hbm>>
    %dma_wait3A_53 = arith.constant 0 : i32
    %dma_wait3A_54 = arith.constant 0 : i32
    %dma_wait3A_55 = tpu.memref_slice %arg2[%dma_wait3A_53, %dma_wait3A_54] : memref<100000x1024xf32, #tpu.memory_space<hbm>> -> memref<240x128xf32, #tpu.memory_space<hbm>>
    tpu.wait_dma2 semaphore(%arg9 : memref<!tpu.dma_semaphore, #tpu.memory_space<semaphore_mem>>) src(%dma_wait3A_55 : memref<240x128xf32, #tpu.memory_space<hbm>>) dst(%arg5 : memref<240x128xf32, #tpu.memory_space<vmem>>)
    %scan3A_56 = arith.constant 0 : i32
    %scan3A_57 = arith.constant 240 : i32
    %scan3A_58 = arith.addi %scan3A_56, %scan3A_57 : i32
    %scan3A_59 = arith.constant 4 : i32
    %scan3A_60:16 = scf.for %scan3A_131 = %scan3A_56 to %scan3A_58 step %scan3A_59 iter_args(%scan3A_132 = %scan3A_49#0, %scan3A_133 = %scan3A_49#1, %scan3A_134 = %scan3A_49#2, %scan3A_135 = %scan3A_49#3, %scan3A_136 = %scan3A_49#4, %scan3A_137 = %scan3A_49#5, %scan3A_138 = %scan3A_49#6, %scan3A_139 = %scan3A_49#7, %scan3A_140 = %scan3A_49#8, %scan3A_141 = %scan3A_49#9, %scan3A_142 = %scan3A_49#10, %scan3A_143 = %scan3A_49#11, %scan3A_144 = %scan3A_49#12, %scan3A_145 = %scan3A_49#13, %scan3A_146 = %scan3A_49#14, %scan3A_147 = %scan3A_49#15) -> (vector<16xf32>, vector<16xf32>, vector<16xf32>, vector<16xf32>, vector<16xf32>, vector<16xf32>, vector<16xf32>, vector<16xf32>, vector<16xf32>, vector<16xf32>, vector<16xf32>, vector<16xf32>, vector<16xf32>, vector<16xf32>, vector<16xf32>, vector<16xf32>)  : i32 {
      %get3A = arith.index_cast %scan3A_131 : i32 to index
      %get3A_148 = arith.constant 0 : index
      %get3A_149 = tpu.vector_load %arg5[%get3A, %get3A_148] {strides = array<i32>} : memref<240x128xf32, #tpu.memory_space<vmem>>, vector<1x16xf32>,
      %get3A_150 = vector.shape_cast %get3A_149 : vector<1x16xf32> to vector<16xf32>
      %min3A = arith.minimumf %scan3A_132, %get3A_150 : vector<16xf32>
      %max3A = arith.maximumf %scan3A_140, %min3A : vector<16xf32>
      %max3A_151 = arith.maximumf %scan3A_132, %get3A_150 : vector<16xf32>
      %get3A_152 = arith.index_cast %scan3A_131 : i32 to index
      %get3A_153 = arith.constant 16 : index
      %get3A_154 = tpu.vector_load %arg5[%get3A_152, %get3A_153] {strides = array<i32>} : memref<240x128xf32, #tpu.memory_space<vmem>>, vector<1x16xf32>,
      %get3A_155 = vector.shape_cast %get3A_154 : vector<1x16xf32> to vector<16xf32>
      %min3A_156 = arith.minimumf %scan3A_133, %get3A_155 : vector<16xf32>
      %max3A_157 = arith.maximumf %scan3A_141, %min3A_156 : vector<16xf32>
      %max3A_158 = arith.maximumf %scan3A_133, %get3A_155 : vector<16xf32>
      %get3A_159 = arith.index_cast %scan3A_131 : i32 to index
      %get3A_160 = arith.constant 32 : index
      %get3A_161 = tpu.vector_load %arg5[%get3A_159, %get3A_160] {strides = array<i32>} : memref<240x128xf32, #tpu.memory_space<vmem>>, vector<1x16xf32>,
      %get3A_162 = vector.shape_cast %get3A_161 : vector<1x16xf32> to vector<16xf32>
      %min3A_163 = arith.minimumf %scan3A_134, %get3A_162 : vector<16xf32>
      %max3A_164 = arith.maximumf %scan3A_142, %min3A_163 : vector<16xf32>
      %max3A_165 = arith.maximumf %scan3A_134, %get3A_162 : vector<16xf32>
      %get3A_166 = arith.index_cast %scan3A_131 : i32 to index
      %get3A_167 = arith.constant 48 : index
      %get3A_168 = tpu.vector_load %arg5[%get3A_166, %get3A_167] {strides = array<i32>} : memref<240x128xf32, #tpu.memory_space<vmem>>, vector<1x16xf32>,
      %get3A_169 = vector.shape_cast %get3A_168 : vector<1x16xf32> to vector<16xf32>
      %min3A_170 = arith.minimumf %scan3A_135, %get3A_169 : vector<16xf32>
      %max3A_171 = arith.maximumf %scan3A_143, %min3A_170 : vector<16xf32>
      %max3A_172 = arith.maximumf %scan3A_135, %get3A_169 : vector<16xf32>
      %get3A_173 = arith.index_cast %scan3A_131 : i32 to index
      %get3A_174 = arith.constant 64 : index
      %get3A_175 = tpu.vector_load %arg5[%get3A_173, %get3A_174] {strides = array<i32>} : memref<240x128xf32, #tpu.memory_space<vmem>>, vector<1x16xf32>,
      %get3A_176 = vector.shape_cast %get3A_175 : vector<1x16xf32> to vector<16xf32>
      %min3A_177 = arith.minimumf %scan3A_136, %get3A_176 : vector<16xf32>
      %max3A_178 = arith.maximumf %scan3A_144, %min3A_177 : vector<16xf32>
      %max3A_179 = arith.maximumf %scan3A_136, %get3A_176 : vector<16xf32>
      %get3A_180 = arith.index_cast %scan3A_131 : i32 to index
      %get3A_181 = arith.constant 80 : index
      %get3A_182 = tpu.vector_load %arg5[%get3A_180, %get3A_181] {strides = array<i32>} : memref<240x128xf32, #tpu.memory_space<vmem>>, vector<1x16xf32>,
      %get3A_183 = vector.shape_cast %get3A_182 : vector<1x16xf32> to vector<16xf32>
      %min3A_184 = arith.minimumf %scan3A_137, %get3A_183 : vector<16xf32>
      %max3A_185 = arith.maximumf %scan3A_145, %min3A_184 : vector<16xf32>
      %max3A_186 = arith.maximumf %scan3A_137, %get3A_183 : vector<16xf32>
      %get3A_187 = arith.index_cast %scan3A_131 : i32 to index
      %get3A_188 = arith.constant 96 : index
      %get3A_189 = tpu.vector_load %arg5[%get3A_187, %get3A_188] {strides = array<i32>} : memref<240x128xf32, #tpu.memory_space<vmem>>, vector<1x16xf32>,
      %get3A_190 = vector.shape_cast %get3A_189 : vector<1x16xf32> to vector<16xf32>
      %min3A_191 = arith.minimumf %scan3A_138, %get3A_190 : vector<16xf32>
      %max3A_192 = arith.maximumf %scan3A_146, %min3A_191 : vector<16xf32>
      %max3A_193 = arith.maximumf %scan3A_138, %get3A_190 : vector<16xf32>
      %get3A_194 = arith.index_cast %scan3A_131 : i32 to index
      %get3A_195 = arith.constant 112 : index
      %get3A_196 = tpu.vector_load %arg5[%get3A_194, %get3A_195] {strides = array<i32>} : memref<240x128xf32, #tpu.memory_space<vmem>>, vector<1x16xf32>,
      %get3A_197 = vector.shape_cast %get3A_196 : vector<1x16xf32> to vector<16xf32>
      %min3A_198 = arith.minimumf %scan3A_139, %get3A_197 : vector<16xf32>
      %max3A_199 = arith.maximumf %scan3A_147, %min3A_198 : vector<16xf32>
      %max3A_200 = arith.maximumf %scan3A_139, %get3A_197 : vector<16xf32>
      %scan3A_201 = arith.constant 1 : i32
      %scan3A_202 = arith.addi %scan3A_131, %scan3A_201 : i32
      %get3A_203 = arith.index_cast %scan3A_202 : i32 to index
      %get3A_204 = arith.constant 0 : index
      %get3A_205 = tpu.vector_load %arg5[%get3A_203, %get3A_204] {strides = array<i32>} : memref<240x128xf32, #tpu.memory_space<vmem>>, vector<1x16xf32>,
      %get3A_206 = vector.shape_cast %get3A_205 : vector<1x16xf32> to vector<16xf32>
      %min3A_207 = arith.minimumf %max3A_151, %get3A_206 : vector<16xf32>
      %max3A_208 = arith.maximumf %max3A, %min3A_207 : vector<16xf32>
      %max3A_209 = arith.maximumf %max3A_151, %get3A_206 : vector<16xf32>
      %get3A_210 = arith.index_cast %scan3A_202 : i32 to index
      %get3A_211 = arith.constant 16 : index
      %get3A_212 = tpu.vector_load %arg5[%get3A_210, %get3A_211] {strides = array<i32>} : memref<240x128xf32, #tpu.memory_space<vmem>>, vector<1x16xf32>,
      %get3A_213 = vector.shape_cast %get3A_212 : vector<1x16xf32> to vector<16xf32>
      %min3A_214 = arith.minimumf %max3A_158, %get3A_213 : vector<16xf32>
      %max3A_215 = arith.maximumf %max3A_157, %min3A_214 : vector<16xf32>
      %max3A_216 = arith.maximumf %max3A_158, %get3A_213 : vector<16xf32>
      %get3A_217 = arith.index_cast %scan3A_202 : i32 to index
      %get3A_218 = arith.constant 32 : index
      %get3A_219 = tpu.vector_load %arg5[%get3A_217, %get3A_218] {strides = array<i32>} : memref<240x128xf32, #tpu.memory_space<vmem>>, vector<1x16xf32>,
      %get3A_220 = vector.shape_cast %get3A_219 : vector<1x16xf32> to vector<16xf32>
      %min3A_221 = arith.minimumf %max3A_165, %get3A_220 : vector<16xf32>
      %max3A_222 = arith.maximumf %max3A_164, %min3A_221 : vector<16xf32>
      %max3A_223 = arith.maximumf %max3A_165, %get3A_220 : vector<16xf32>
      %get3A_224 = arith.index_cast %scan3A_202 : i32 to index
      %get3A_225 = arith.constant 48 : index
      %get3A_226 = tpu.vector_load %arg5[%get3A_224, %get3A_225] {strides = array<i32>} : memref<240x128xf32, #tpu.memory_space<vmem>>, vector<1x16xf32>,
      %get3A_227 = vector.shape_cast %get3A_226 : vector<1x16xf32> to vector<16xf32>
      %min3A_228 = arith.minimumf %max3A_172, %get3A_227 : vector<16xf32>
      %max3A_229 = arith.maximumf %max3A_171, %min3A_228 : vector<16xf32>
      %max3A_230 = arith.maximumf %max3A_172, %get3A_227 : vector<16xf32>
      %get3A_231 = arith.index_cast %scan3A_202 : i32 to index
      %get3A_232 = arith.constant 64 : index
      %get3A_233 = tpu.vector_load %arg5[%get3A_231, %get3A_232] {strides = array<i32>} : memref<240x128xf32, #tpu.memory_space<vmem>>, vector<1x16xf32>,
      %get3A_234 = vector.shape_cast %get3A_233 : vector<1x16xf32> to vector<16xf32>
      %min3A_235 = arith.minimumf %max3A_179, %get3A_234 : vector<16xf32>
      %max3A_236 = arith.maximumf %max3A_178, %min3A_235 : vector<16xf32>
      %max3A_237 = arith.maximumf %max3A_179, %get3A_234 : vector<16xf32>
      %get3A_238 = arith.index_cast %scan3A_202 : i32 to index
      %get3A_239 = arith.constant 80 : index
      %get3A_240 = tpu.vector_load %arg5[%get3A_238, %get3A_239] {strides = array<i32>} : memref<240x128xf32, #tpu.memory_space<vmem>>, vector<1x16xf32>,
      %get3A_241 = vector.shape_cast %get3A_240 : vector<1x16xf32> to vector<16xf32>
      %min3A_242 = arith.minimumf %max3A_186, %get3A_241 : vector<16xf32>
      %max3A_243 = arith.maximumf %max3A_185, %min3A_242 : vector<16xf32>
      %max3A_244 = arith.maximumf %max3A_186, %get3A_241 : vector<16xf32>
      %get3A_245 = arith.index_cast %scan3A_202 : i32 to index
      %get3A_246 = arith.constant 96 : index
      %get3A_247 = tpu.vector_load %arg5[%get3A_245, %get3A_246] {strides = array<i32>} : memref<240x128xf32, #tpu.memory_space<vmem>>, vector<1x16xf32>,
      %get3A_248 = vector.shape_cast %get3A_247 : vector<1x16xf32> to vector<16xf32>
      %min3A_249 = arith.minimumf %max3A_193, %get3A_248 : vector<16xf32>
      %max3A_250 = arith.maximumf %max3A_192, %min3A_249 : vector<16xf32>
      %max3A_251 = arith.maximumf %max3A_193, %get3A_248 : vector<16xf32>
      %get3A_252 = arith.index_cast %scan3A_202 : i32 to index
      %get3A_253 = arith.constant 112 : index
      %get3A_254 = tpu.vector_load %arg5[%get3A_252, %get3A_253] {strides = array<i32>} : memref<240x128xf32, #tpu.memory_space<vmem>>, vector<1x16xf32>,
      %get3A_255 = vector.shape_cast %get3A_254 : vector<1x16xf32> to vector<16xf32>
      %min3A_256 = arith.minimumf %max3A_200, %get3A_255 : vector<16xf32>
      %max3A_257 = arith.maximumf %max3A_199, %min3A_256 : vector<16xf32>
      %max3A_258 = arith.maximumf %max3A_200, %get3A_255 : vector<16xf32>
      %scan3A_259 = arith.constant 2 : i32
      %scan3A_260 = arith.addi %scan3A_131, %scan3A_259 : i32
      %get3A_261 = arith.index_cast %scan3A_260 : i32 to index
      %get3A_262 = arith.constant 0 : index
      %get3A_263 = tpu.vector_load %arg5[%get3A_261, %get3A_262] {strides = array<i32>} : memref<240x128xf32, #tpu.memory_space<vmem>>, vector<1x16xf32>,
      %get3A_264 = vector.shape_cast %get3A_263 : vector<1x16xf32> to vector<16xf32>
      %min3A_265 = arith.minimumf %max3A_209, %get3A_264 : vector<16xf32>
      %max3A_266 = arith.maximumf %max3A_208, %min3A_265 : vector<16xf32>
      %max3A_267 = arith.maximumf %max3A_209, %get3A_264 : vector<16xf32>
      %get3A_268 = arith.index_cast %scan3A_260 : i32 to index
      %get3A_269 = arith.constant 16 : index
      %get3A_270 = tpu.vector_load %arg5[%get3A_268, %get3A_269] {strides = array<i32>} : memref<240x128xf32, #tpu.memory_space<vmem>>, vector<1x16xf32>,
      %get3A_271 = vector.shape_cast %get3A_270 : vector<1x16xf32> to vector<16xf32>
      %min3A_272 = arith.minimumf %max3A_216, %get3A_271 : vector<16xf32>
      %max3A_273 = arith.maximumf %max3A_215, %min3A_272 : vector<16xf32>
      %max3A_274 = arith.maximumf %max3A_216, %get3A_271 : vector<16xf32>
      %get3A_275 = arith.index_cast %scan3A_260 : i32 to index
      %get3A_276 = arith.constant 32 : index
      %get3A_277 = tpu.vector_load %arg5[%get3A_275, %get3A_276] {strides = array<i32>} : memref<240x128xf32, #tpu.memory_space<vmem>>, vector<1x16xf32>,
      %get3A_278 = vector.shape_cast %get3A_277 : vector<1x16xf32> to vector<16xf32>
      %min3A_279 = arith.minimumf %max3A_223, %get3A_278 : vector<16xf32>
      %max3A_280 = arith.maximumf %max3A_222, %min3A_279 : vector<16xf32>
      %max3A_281 = arith.maximumf %max3A_223, %get3A_278 : vector<16xf32>
      %get3A_282 = arith.index_cast %scan3A_260 : i32 to index
      %get3A_283 = arith.constant 48 : index
      %get3A_284 = tpu.vector_load %arg5[%get3A_282, %get3A_283] {strides = array<i32>} : memref<240x128xf32, #tpu.memory_space<vmem>>, vector<1x16xf32>,
      %get3A_285 = vector.shape_cast %get3A_284 : vector<1x16xf32> to vector<16xf32>
      %min3A_286 = arith.minimumf %max3A_230, %get3A_285 : vector<16xf32>
      %max3A_287 = arith.maximumf %max3A_229, %min3A_286 : vector<16xf32>
      %max3A_288 = arith.maximumf %max3A_230, %get3A_285 : vector<16xf32>
      %get3A_289 = arith.index_cast %scan3A_260 : i32 to index
      %get3A_290 = arith.constant 64 : index
      %get3A_291 = tpu.vector_load %arg5[%get3A_289, %get3A_290] {strides = array<i32>} : memref<240x128xf32, #tpu.memory_space<vmem>>, vector<1x16xf32>,
      %get3A_292 = vector.shape_cast %get3A_291 : vector<1x16xf32> to vector<16xf32>
      %min3A_293 = arith.minimumf %max3A_237, %get3A_292 : vector<16xf32>
      %max3A_294 = arith.maximumf %max3A_236, %min3A_293 : vector<16xf32>
      %max3A_295 = arith.maximumf %max3A_237, %get3A_292 : vector<16xf32>
      %get3A_296 = arith.index_cast %scan3A_260 : i32 to index
      %get3A_297 = arith.constant 80 : index
      %get3A_298 = tpu.vector_load %arg5[%get3A_296, %get3A_297] {strides = array<i32>} : memref<240x128xf32, #tpu.memory_space<vmem>>, vector<1x16xf32>,
      %get3A_299 = vector.shape_cast %get3A_298 : vector<1x16xf32> to vector<16xf32>
      %min3A_300 = arith.minimumf %max3A_244, %get3A_299 : vector<16xf32>
      %max3A_301 = arith.maximumf %max3A_243, %min3A_300 : vector<16xf32>
      %max3A_302 = arith.maximumf %max3A_244, %get3A_299 : vector<16xf32>
      %get3A_303 = arith.index_cast %scan3A_260 : i32 to index
      %get3A_304 = arith.constant 96 : index
      %get3A_305 = tpu.vector_load %arg5[%get3A_303, %get3A_304] {strides = array<i32>} : memref<240x128xf32, #tpu.memory_space<vmem>>, vector<1x16xf32>,
      %get3A_306 = vector.shape_cast %get3A_305 : vector<1x16xf32> to vector<16xf32>
      %min3A_307 = arith.minimumf %max3A_251, %get3A_306 : vector<16xf32>
      %max3A_308 = arith.maximumf %max3A_250, %min3A_307 : vector<16xf32>
      %max3A_309 = arith.maximumf %max3A_251, %get3A_306 : vector<16xf32>
      %get3A_310 = arith.index_cast %scan3A_260 : i32 to index
      %get3A_311 = arith.constant 112 : index
      %get3A_312 = tpu.vector_load %arg5[%get3A_310, %get3A_311] {strides = array<i32>} : memref<240x128xf32, #tpu.memory_space<vmem>>, vector<1x16xf32>,
      %get3A_313 = vector.shape_cast %get3A_312 : vector<1x16xf32> to vector<16xf32>
      %min3A_314 = arith.minimumf %max3A_258, %get3A_313 : vector<16xf32>
      %max3A_315 = arith.maximumf %max3A_257, %min3A_314 : vector<16xf32>
      %max3A_316 = arith.maximumf %max3A_258, %get3A_313 : vector<16xf32>
      %scan3A_317 = arith.constant 3 : i32
      %scan3A_318 = arith.addi %scan3A_131, %scan3A_317 : i32
      %get3A_319 = arith.index_cast %scan3A_318 : i32 to index
      %get3A_320 = arith.constant 0 : index
      %get3A_321 = tpu.vector_load %arg5[%get3A_319, %get3A_320] {strides = array<i32>} : memref<240x128xf32, #tpu.memory_space<vmem>>, vector<1x16xf32>,
      %get3A_322 = vector.shape_cast %get3A_321 : vector<1x16xf32> to vector<16xf32>
      %min3A_323 = arith.minimumf %max3A_267, %get3A_322 : vector<16xf32>
      %max3A_324 = arith.maximumf %max3A_266, %min3A_323 : vector<16xf32>
      %max3A_325 = arith.maximumf %max3A_267, %get3A_322 : vector<16xf32>
      %get3A_326 = arith.index_cast %scan3A_318 : i32 to index
      %get3A_327 = arith.constant 16 : index
      %get3A_328 = tpu.vector_load %arg5[%get3A_326, %get3A_327] {strides = array<i32>} : memref<240x128xf32, #tpu.memory_space<vmem>>, vector<1x16xf32>,
      %get3A_329 = vector.shape_cast %get3A_328 : vector<1x16xf32> to vector<16xf32>
      %min3A_330 = arith.minimumf %max3A_274, %get3A_329 : vector<16xf32>
      %max3A_331 = arith.maximumf %max3A_273, %min3A_330 : vector<16xf32>
      %max3A_332 = arith.maximumf %max3A_274, %get3A_329 : vector<16xf32>
      %get3A_333 = arith.index_cast %scan3A_318 : i32 to index
      %get3A_334 = arith.constant 32 : index
      %get3A_335 = tpu.vector_load %arg5[%get3A_333, %get3A_334] {strides = array<i32>} : memref<240x128xf32, #tpu.memory_space<vmem>>, vector<1x16xf32>,
      %get3A_336 = vector.shape_cast %get3A_335 : vector<1x16xf32> to vector<16xf32>
      %min3A_337 = arith.minimumf %max3A_281, %get3A_336 : vector<16xf32>
      %max3A_338 = arith.maximumf %max3A_280, %min3A_337 : vector<16xf32>
      %max3A_339 = arith.maximumf %max3A_281, %get3A_336 : vector<16xf32>
      %get3A_340 = arith.index_cast %scan3A_318 : i32 to index
      %get3A_341 = arith.constant 48 : index
      %get3A_342 = tpu.vector_load %arg5[%get3A_340, %get3A_341] {strides = array<i32>} : memref<240x128xf32, #tpu.memory_space<vmem>>, vector<1x16xf32>,
      %get3A_343 = vector.shape_cast %get3A_342 : vector<1x16xf32> to vector<16xf32>
      %min3A_344 = arith.minimumf %max3A_288, %get3A_343 : vector<16xf32>
      %max3A_345 = arith.maximumf %max3A_287, %min3A_344 : vector<16xf32>
      %max3A_346 = arith.maximumf %max3A_288, %get3A_343 : vector<16xf32>
      %get3A_347 = arith.index_cast %scan3A_318 : i32 to index
      %get3A_348 = arith.constant 64 : index
      %get3A_349 = tpu.vector_load %arg5[%get3A_347, %get3A_348] {strides = array<i32>} : memref<240x128xf32, #tpu.memory_space<vmem>>, vector<1x16xf32>,
      %get3A_350 = vector.shape_cast %get3A_349 : vector<1x16xf32> to vector<16xf32>
      %min3A_351 = arith.minimumf %max3A_295, %get3A_350 : vector<16xf32>
      %max3A_352 = arith.maximumf %max3A_294, %min3A_351 : vector<16xf32>
      %max3A_353 = arith.maximumf %max3A_295, %get3A_350 : vector<16xf32>
      %get3A_354 = arith.index_cast %scan3A_318 : i32 to index
      %get3A_355 = arith.constant 80 : index
      %get3A_356 = tpu.vector_load %arg5[%get3A_354, %get3A_355] {strides = array<i32>} : memref<240x128xf32, #tpu.memory_space<vmem>>, vector<1x16xf32>,
      %get3A_357 = vector.shape_cast %get3A_356 : vector<1x16xf32> to vector<16xf32>
      %min3A_358 = arith.minimumf %max3A_302, %get3A_357 : vector<16xf32>
      %max3A_359 = arith.maximumf %max3A_301, %min3A_358 : vector<16xf32>
      %max3A_360 = arith.maximumf %max3A_302, %get3A_357 : vector<16xf32>
      %get3A_361 = arith.index_cast %scan3A_318 : i32 to index
      %get3A_362 = arith.constant 96 : index
      %get3A_363 = tpu.vector_load %arg5[%get3A_361, %get3A_362] {strides = array<i32>} : memref<240x128xf32, #tpu.memory_space<vmem>>, vector<1x16xf32>,
      %get3A_364 = vector.shape_cast %get3A_363 : vector<1x16xf32> to vector<16xf32>
      %min3A_365 = arith.minimumf %max3A_309, %get3A_364 : vector<16xf32>
      %max3A_366 = arith.maximumf %max3A_308, %min3A_365 : vector<16xf32>
      %max3A_367 = arith.maximumf %max3A_309, %get3A_364 : vector<16xf32>
      %get3A_368 = arith.index_cast %scan3A_318 : i32 to index
      %get3A_369 = arith.constant 112 : index
      %get3A_370 = tpu.vector_load %arg5[%get3A_368, %get3A_369] {strides = array<i32>} : memref<240x128xf32, #tpu.memory_space<vmem>>, vector<1x16xf32>,
      %get3A_371 = vector.shape_cast %get3A_370 : vector<1x16xf32> to vector<16xf32>
      %min3A_372 = arith.minimumf %max3A_316, %get3A_371 : vector<16xf32>
      %max3A_373 = arith.maximumf %max3A_315, %min3A_372 : vector<16xf32>
      %max3A_374 = arith.maximumf %max3A_316, %get3A_371 : vector<16xf32>
      scf.yield %max3A_325, %max3A_332, %max3A_339, %max3A_346, %max3A_353, %max3A_360, %max3A_367, %max3A_374, %max3A_324, %max3A_331, %max3A_338, %max3A_345, %max3A_352, %max3A_359, %max3A_366, %max3A_373 : vector<16xf32>, vector<16xf32>, vector<16xf32>, vector<16xf32>, vector<16xf32>, vector<16xf32>, vector<16xf32>, vector<16xf32>, vector<16xf32>, vector<16xf32>, vector<16xf32>, vector<16xf32>, vector<16xf32>, vector<16xf32>, vector<16xf32>, vector<16xf32>
    }
    %scan3A_61 = arith.constant 240 : i32
    %swap3A = arith.constant 0 : index
    %swap3A_62 = tpu.vector_load %arg7[%swap3A] {strides = array<i32>} : memref<128xf32, #tpu.memory_space<vmem>>, vector<16xf32>,
    %swap3A_63 = vector.shape_cast %swap3A_62 : vector<16xf32> to vector<16xf32>
    %swap3A_64 = vector.shape_cast %scan3A_60#0 : vector<16xf32> to vector<16xf32>
    tpu.vector_store %arg7[%swap3A], %swap3A_64 {strides = array<i32>} : memref<128xf32, #tpu.memory_space<vmem>>, vector<16xf32>,
    %swap3A_65 = arith.constant 0 : index
    %swap3A_66 = tpu.vector_load %arg8[%swap3A_65] {strides = array<i32>} : memref<128xf32, #tpu.memory_space<vmem>>, vector<16xf32>,
    %swap3A_67 = vector.shape_cast %swap3A_66 : vector<16xf32> to vector<16xf32>
    %swap3A_68 = vector.shape_cast %scan3A_60#8 : vector<16xf32> to vector<16xf32>
    tpu.vector_store %arg8[%swap3A_65], %swap3A_68 {strides = array<i32>} : memref<128xf32, #tpu.memory_space<vmem>>, vector<16xf32>,
    %swap3A_69 = arith.constant 16 : index
    %swap3A_70 = tpu.vector_load %arg7[%swap3A_69] {strides = array<i32>} : memref<128xf32, #tpu.memory_space<vmem>>, vector<16xf32>,
    %swap3A_71 = vector.shape_cast %swap3A_70 : vector<16xf32> to vector<16xf32>
    %swap3A_72 = vector.shape_cast %scan3A_60#1 : vector<16xf32> to vector<16xf32>
    tpu.vector_store %arg7[%swap3A_69], %swap3A_72 {strides = array<i32>} : memref<128xf32, #tpu.memory_space<vmem>>, vector<16xf32>,
    %swap3A_73 = arith.constant 16 : index
    %swap3A_74 = tpu.vector_load %arg8[%swap3A_73] {strides = array<i32>} : memref<128xf32, #tpu.memory_space<vmem>>, vector<16xf32>,
    %swap3A_75 = vector.shape_cast %swap3A_74 : vector<16xf32> to vector<16xf32>
    %swap3A_76 = vector.shape_cast %scan3A_60#9 : vector<16xf32> to vector<16xf32>
    tpu.vector_store %arg8[%swap3A_73], %swap3A_76 {strides = array<i32>} : memref<128xf32, #tpu.memory_space<vmem>>, vector<16xf32>,
    %swap3A_77 = arith.constant 32 : index
    %swap3A_78 = tpu.vector_load %arg7[%swap3A_77] {strides = array<i32>} : memref<128xf32, #tpu.memory_space<vmem>>, vector<16xf32>,
    %swap3A_79 = vector.shape_cast %swap3A_78 : vector<16xf32> to vector<16xf32>
    %swap3A_80 = vector.shape_cast %scan3A_60#2 : vector<16xf32> to vector<16xf32>
    tpu.vector_store %arg7[%swap3A_77], %swap3A_80 {strides = array<i32>} : memref<128xf32, #tpu.memory_space<vmem>>, vector<16xf32>,
    %swap3A_81 = arith.constant 32 : index
    %swap3A_82 = tpu.vector_load %arg8[%swap3A_81] {strides = array<i32>} : memref<128xf32, #tpu.memory_space<vmem>>, vector<16xf32>,
    %swap3A_83 = vector.shape_cast %swap3A_82 : vector<16xf32> to vector<16xf32>
    %swap3A_84 = vector.shape_cast %scan3A_60#10 : vector<16xf32> to vector<16xf32>
    tpu.vector_store %arg8[%swap3A_81], %swap3A_84 {strides = array<i32>} : memref<128xf32, #tpu.memory_space<vmem>>, vector<16xf32>,
    %swap3A_85 = arith.constant 48 : index
    %swap3A_86 = tpu.vector_load %arg7[%swap3A_85] {strides = array<i32>} : memref<128xf32, #tpu.memory_space<vmem>>, vector<16xf32>,
    %swap3A_87 = vector.shape_cast %swap3A_86 : vector<16xf32> to vector<16xf32>
    %swap3A_88 = vector.shape_cast %scan3A_60#3 : vector<16xf32> to vector<16xf32>
    tpu.vector_store %arg7[%swap3A_85], %swap3A_88 {strides = array<i32>} : memref<128xf32, #tpu.memory_space<vmem>>, vector<16xf32>,
    %swap3A_89 = arith.constant 48 : index
    %swap3A_90 = tpu.vector_load %arg8[%swap3A_89] {strides = array<i32>} : memref<128xf32, #tpu.memory_space<vmem>>, vector<16xf32>,
    %swap3A_91 = vector.shape_cast %swap3A_90 : vector<16xf32> to vector<16xf32>
    %swap3A_92 = vector.shape_cast %scan3A_60#11 : vector<16xf32> to vector<16xf32>
    tpu.vector_store %arg8[%swap3A_89], %swap3A_92 {strides = array<i32>} : memref<128xf32, #tpu.memory_space<vmem>>, vector<16xf32>,
    %swap3A_93 = arith.constant 64 : index
    %swap3A_94 = tpu.vector_load %arg7[%swap3A_93] {strides = array<i32>} : memref<128xf32, #tpu.memory_space<vmem>>, vector<16xf32>,
    %swap3A_95 = vector.shape_cast %swap3A_94 : vector<16xf32> to vector<16xf32>
    %swap3A_96 = vector.shape_cast %scan3A_60#4 : vector<16xf32> to vector<16xf32>
    tpu.vector_store %arg7[%swap3A_93], %swap3A_96 {strides = array<i32>} : memref<128xf32, #tpu.memory_space<vmem>>, vector<16xf32>,
    %swap3A_97 = arith.constant 64 : index
    %swap3A_98 = tpu.vector_load %arg8[%swap3A_97] {strides = array<i32>} : memref<128xf32, #tpu.memory_space<vmem>>, vector<16xf32>,
    %swap3A_99 = vector.shape_cast %swap3A_98 : vector<16xf32> to vector<16xf32>
    %swap3A_100 = vector.shape_cast %scan3A_60#12 : vector<16xf32> to vector<16xf32>
    tpu.vector_store %arg8[%swap3A_97], %swap3A_100 {strides = array<i32>} : memref<128xf32, #tpu.memory_space<vmem>>, vector<16xf32>,
    %swap3A_101 = arith.constant 80 : index
    %swap3A_102 = tpu.vector_load %arg7[%swap3A_101] {strides = array<i32>} : memref<128xf32, #tpu.memory_space<vmem>>, vector<16xf32>,
    %swap3A_103 = vector.shape_cast %swap3A_102 : vector<16xf32> to vector<16xf32>
    %swap3A_104 = vector.shape_cast %scan3A_60#5 : vector<16xf32> to vector<16xf32>
    tpu.vector_store %arg7[%swap3A_101], %swap3A_104 {strides = array<i32>} : memref<128xf32, #tpu.memory_space<vmem>>, vector<16xf32>,
    %swap3A_105 = arith.constant 80 : index
    %swap3A_106 = tpu.vector_load %arg8[%swap3A_105] {strides = array<i32>} : memref<128xf32, #tpu.memory_space<vmem>>, vector<16xf32>,
    %swap3A_107 = vector.shape_cast %swap3A_106 : vector<16xf32> to vector<16xf32>
    %swap3A_108 = vector.shape_cast %scan3A_60#13 : vector<16xf32> to vector<16xf32>
    tpu.vector_store %arg8[%swap3A_105], %swap3A_108 {strides = array<i32>} : memref<128xf32, #tpu.memory_space<vmem>>, vector<16xf32>,
    %swap3A_109 = arith.constant 96 : index
    %swap3A_110 = tpu.vector_load %arg7[%swap3A_109] {strides = array<i32>} : memref<128xf32, #tpu.memory_space<vmem>>, vector<16xf32>,
    %swap3A_111 = vector.shape_cast %swap3A_110 : vector<16xf32> to vector<16xf32>
    %swap3A_112 = vector.shape_cast %scan3A_60#6 : vector<16xf32> to vector<16xf32>
    tpu.vector_store %arg7[%swap3A_109], %swap3A_112 {strides = array<i32>} : memref<128xf32, #tpu.memory_space<vmem>>, vector<16xf32>,
    %swap3A_113 = arith.constant 96 : index
    %swap3A_114 = tpu.vector_load %arg8[%swap3A_113] {strides = array<i32>} : memref<128xf32, #tpu.memory_space<vmem>>, vector<16xf32>,
    %swap3A_115 = vector.shape_cast %swap3A_114 : vector<16xf32> to vector<16xf32>
    %swap3A_116 = vector.shape_cast %scan3A_60#14 : vector<16xf32> to vector<16xf32>
    tpu.vector_store %arg8[%swap3A_113], %swap3A_116 {strides = array<i32>} : memref<128xf32, #tpu.memory_space<vmem>>, vector<16xf32>,
    %swap3A_117 = arith.constant 112 : index
    %swap3A_118 = tpu.vector_load %arg7[%swap3A_117] {strides = array<i32>} : memref<128xf32, #tpu.memory_space<vmem>>, vector<16xf32>,
    %swap3A_119 = vector.shape_cast %swap3A_118 : vector<16xf32> to vector<16xf32>
    %swap3A_120 = vector.shape_cast %scan3A_60#7 : vector<16xf32> to vector<16xf32>
    tpu.vector_store %arg7[%swap3A_117], %swap3A_120 {strides = array<i32>} : memref<128xf32, #tpu.memory_space<vmem>>, vector<16xf32>,
    %swap3A_121 = arith.constant 112 : index
    %swap3A_122 = tpu.vector_load %arg8[%swap3A_121] {strides = array<i32>} : memref<128xf32, #tpu.memory_space<vmem>>, vector<16xf32>,
    %swap3A_123 = vector.shape_cast %swap3A_122 : vector<16xf32> to vector<16xf32>
    %swap3A_124 = vector.shape_cast %scan3A_60#15 : vector<16xf32> to vector<16xf32>
    tpu.vector_store %arg8[%swap3A_121], %swap3A_124 {strides = array<i32>} : memref<128xf32, #tpu.memory_space<vmem>>, vector<16xf32>,
    %mul3A_125 = arith.constant 1024 : i32
    %mul3A_126 = arith.muli %select_n3A_30, %mul3A_125 : i32
    %add3A_127 = arith.addi %mul3A_126, %mul3A_34 : i32
    "tpu.region"() ({
      %run_scoped3A = tpu.sem_alloc : memref<!tpu.dma_semaphore, #tpu.memory_space<semaphore_mem>>
      %dma_start3A_131 = tpu.memref_slice %arg3[%add3A_127] : memref<4096xf32, #tpu.memory_space<hbm>> -> memref<128xf32, #tpu.memory_space<hbm>>
      %dma_start3A_132 = tpu.memref_slice %arg3[%add3A_127] : memref<4096xf32, #tpu.memory_space<hbm>> -> memref<128xf32, #tpu.memory_space<hbm>>
      tpu.enqueue_dma source(%arg7 : memref<128xf32, #tpu.memory_space<vmem>>) target(%dma_start3A_132 : memref<128xf32, #tpu.memory_space<hbm>>) target_semaphore(%run_scoped3A : memref<!tpu.dma_semaphore, #tpu.memory_space<semaphore_mem>>)
      %dma_wait3A_133 = tpu.memref_slice %arg3[%add3A_127] : memref<4096xf32, #tpu.memory_space<hbm>> -> memref<128xf32, #tpu.memory_space<hbm>>
      %dma_wait3A_134 = tpu.memref_slice %arg3[%add3A_127] : memref<4096xf32, #tpu.memory_space<hbm>> -> memref<128xf32, #tpu.memory_space<hbm>>
      tpu.wait_dma2 semaphore(%run_scoped3A : memref<!tpu.dma_semaphore, #tpu.memory_space<semaphore_mem>>) src(%arg7 : memref<128xf32, #tpu.memory_space<vmem>>) dst(%dma_wait3A_134 : memref<128xf32, #tpu.memory_space<hbm>>)
      tpu.yield
    }) : () -> ()
    %mul3A_128 = arith.constant 1024 : i32
    %mul3A_129 = arith.muli %select_n3A_30, %mul3A_128 : i32
    %add3A_130 = arith.addi %mul3A_129, %mul3A_34 : i32
    "tpu.region"() ({
      %run_scoped3A = tpu.sem_alloc : memref<!tpu.dma_semaphore, #tpu.memory_space<semaphore_mem>>
      %dma_start3A_131 = tpu.memref_slice %arg4[%add3A_130] : memref<4096xf32, #tpu.memory_space<hbm>> -> memref<128xf32, #tpu.memory_space<hbm>>
      %dma_start3A_132 = tpu.memref_slice %arg4[%add3A_130] : memref<4096xf32, #tpu.memory_space<hbm>> -> memref<128xf32, #tpu.memory_space<hbm>>
      tpu.enqueue_dma source(%arg8 : memref<128xf32, #tpu.memory_space<vmem>>) target(%dma_start3A_132 : memref<128xf32, #tpu.memory_space<hbm>>) target_semaphore(%run_scoped3A : memref<!tpu.dma_semaphore, #tpu.memory_space<semaphore_mem>>)
      %dma_wait3A_133 = tpu.memref_slice %arg4[%add3A_130] : memref<4096xf32, #tpu.memory_space<hbm>> -> memref<128xf32, #tpu.memory_space<hbm>>
      %dma_wait3A_134 = tpu.memref_slice %arg4[%add3A_130] : memref<4096xf32, #tpu.memory_space<hbm>> -> memref<128xf32, #tpu.memory_space<hbm>>
      tpu.wait_dma2 semaphore(%run_scoped3A : memref<!tpu.dma_semaphore, #tpu.memory_space<semaphore_mem>>) src(%arg8 : memref<128xf32, #tpu.memory_space<vmem>>) dst(%dma_wait3A_134 : memref<128xf32, #tpu.memory_space<hbm>>)
      tpu.yield
    }) : () -> ()
    return
  }
}

module attributes {stable_mosaic.version = 14 : i64} {
  func.func @_comb_body(%arg0: memref<4096xf32, #tpu.memory_space<vmem>>, %arg1: memref<4096xf32, #tpu.memory_space<vmem>>, %arg2: memref<1024xf32, #tpu.memory_space<vmem>>, %arg3: memref<1024xf32, #tpu.memory_space<vmem>>, %arg4: memref<1024xf32, #tpu.memory_space<vmem>>, %arg5: memref<1024xf32, #tpu.memory_space<vmem>>) attributes {dimension_semantics = [], scalar_prefetch = 0 : i64, scratch_operands = 0 : i64, tpu.core_type = #tpu.core_type<tc>} {
    %get3A = arith.constant 0 : index
    %get3A_0 = vector.load %arg0[%get3A] : memref<4096xf32, #tpu.memory_space<vmem>>, vector<1024xf32>
    %get3A_1 = arith.constant 0 : index
    %get3A_2 = vector.load %arg1[%get3A_1] : memref<4096xf32, #tpu.memory_space<vmem>>, vector<1024xf32>
    %get3A_3 = arith.constant 1024 : index
    %get3A_4 = vector.load %arg0[%get3A_3] : memref<4096xf32, #tpu.memory_space<vmem>>, vector<1024xf32>
    %get3A_5 = arith.constant 1024 : index
    %get3A_6 = vector.load %arg1[%get3A_5] : memref<4096xf32, #tpu.memory_space<vmem>>, vector<1024xf32>
    %min3A = arith.minimumf %get3A_0, %get3A_4 : vector<1024xf32>
    %max3A = arith.maximumf %get3A_2, %get3A_6 : vector<1024xf32>
    %max3A_7 = arith.maximumf %min3A, %max3A : vector<1024xf32>
    %max3A_8 = arith.maximumf %get3A_0, %get3A_4 : vector<1024xf32>
    %get3A_9 = arith.constant 2048 : index
    %get3A_10 = vector.load %arg0[%get3A_9] : memref<4096xf32, #tpu.memory_space<vmem>>, vector<1024xf32>
    %get3A_11 = arith.constant 2048 : index
    %get3A_12 = vector.load %arg1[%get3A_11] : memref<4096xf32, #tpu.memory_space<vmem>>, vector<1024xf32>
    %min3A_13 = arith.minimumf %max3A_8, %get3A_10 : vector<1024xf32>
    %max3A_14 = arith.maximumf %max3A_7, %get3A_12 : vector<1024xf32>
    %max3A_15 = arith.maximumf %min3A_13, %max3A_14 : vector<1024xf32>
    %max3A_16 = arith.maximumf %max3A_8, %get3A_10 : vector<1024xf32>
    %get3A_17 = arith.constant 3072 : index
    %get3A_18 = vector.load %arg0[%get3A_17] : memref<4096xf32, #tpu.memory_space<vmem>>, vector<1024xf32>
    %get3A_19 = arith.constant 3072 : index
    %get3A_20 = vector.load %arg1[%get3A_19] : memref<4096xf32, #tpu.memory_space<vmem>>, vector<1024xf32>
    %min3A_21 = arith.minimumf %max3A_16, %get3A_18 : vector<1024xf32>
    %max3A_22 = arith.maximumf %max3A_15, %get3A_20 : vector<1024xf32>
    %max3A_23 = arith.maximumf %min3A_21, %max3A_22 : vector<1024xf32>
    %max3A_24 = arith.maximumf %max3A_16, %get3A_18 : vector<1024xf32>
    %get3A_25 = arith.constant 0 : index
    %get3A_26 = vector.load %arg2[%get3A_25] : memref<1024xf32, #tpu.memory_space<vmem>>, vector<1024xf32>
    %get3A_27 = arith.constant 0 : index
    %get3A_28 = vector.load %arg3[%get3A_27] : memref<1024xf32, #tpu.memory_space<vmem>>, vector<1024xf32>
    %min3A_29 = arith.minimumf %max3A_24, %get3A_26 : vector<1024xf32>
    %max3A_30 = arith.maximumf %max3A_23, %get3A_28 : vector<1024xf32>
    %max3A_31 = arith.maximumf %min3A_29, %max3A_30 : vector<1024xf32>
    %max3A_32 = arith.maximumf %max3A_24, %get3A_26 : vector<1024xf32>
    %get3A_33 = arith.constant 0 : index
    %get3A_34 = vector.load %arg4[%get3A_33] : memref<1024xf32, #tpu.memory_space<vmem>>, vector<1024xf32>
    %eq3A = arith.cmpf oeq, %get3A_34, %max3A_32 : vector<1024xf32>
    %select_n3A = arith.select %eq3A, %max3A_31, %max3A_32 : vector<1024xi1>, vector<1024xf32>
    %sub3A = arith.subf %get3A_34, %select_n3A : vector<1024xf32>
    %swap3A = arith.constant 0 : index
    %swap3A_35 = vector.load %arg5[%swap3A] : memref<1024xf32, #tpu.memory_space<vmem>>, vector<1024xf32>
    tpu.vector_store %arg5[%swap3A], %sub3A {strides = array<i32>} : memref<1024xf32, #tpu.memory_space<vmem>>, vector<1024xf32>,
    return
  }
}

module attributes {stable_mosaic.version = 14 : i64} {
  func.func @_tc_body(%arg0: i32, %arg1: memref<800x1024xf32, #tpu.memory_space<vmem>>, %arg2: memref<1024xf32, #tpu.memory_space<vmem>>, %arg3: memref<1024xf32, #tpu.memory_space<vmem>>) attributes {dimension_semantics = [#tpu.dimension_semantics<arbitrary>], iteration_bounds = array<i64: 47>, scalar_prefetch = 0 : i64, scratch_operands = 0 : i64, tpu.core_type = #tpu.core_type<tc>, window_params = [{transform_indices = @transform_0, window_bounds = array<i64: 800, 1024>}, {pipeline_mode = #tpu.pipeline_mode<synchronous>, transform_indices = @transform_1, window_bounds = array<i64: 1024>}, {pipeline_mode = #tpu.pipeline_mode<synchronous>, transform_indices = @transform_2, window_bounds = array<i64: 1024>}]} {
    %eq3A = arith.constant 0 : i32
    %eq3A_0 = arith.cmpi eq, %arg0, %eq3A : i32
    %convert_element_type3A = arith.extui %eq3A_0 : i1 to i32
    %cond3A = arith.constant 0 : i32
    %cond3A_1 = arith.cmpi ne, %convert_element_type3A, %cond3A : i32
    scf.if %cond3A_1 {
      %broadcast_in_dim3A = arith.constant 0xFF800000 : f32
      %broadcast_in_dim3A_13 = vector.broadcast %broadcast_in_dim3A : f32 to vector<1024xf32>
      %swap3A_14 = arith.constant 0 : index
      %swap3A_15 = vector.load %arg2[%swap3A_14] : memref<1024xf32, #tpu.memory_space<vmem>>, vector<1024xf32>
      tpu.vector_store %arg2[%swap3A_14], %broadcast_in_dim3A_13 {strides = array<i32>} : memref<1024xf32, #tpu.memory_space<vmem>>, vector<1024xf32>,
      %broadcast_in_dim3A_16 = arith.constant 0xFF800000 : f32
      %broadcast_in_dim3A_17 = vector.broadcast %broadcast_in_dim3A_16 : f32 to vector<1024xf32>
      %swap3A_18 = arith.constant 0 : index
      %swap3A_19 = vector.load %arg3[%swap3A_18] : memref<1024xf32, #tpu.memory_space<vmem>>, vector<1024xf32>
      tpu.vector_store %arg3[%swap3A_18], %broadcast_in_dim3A_17 {strides = array<i32>} : memref<1024xf32, #tpu.memory_space<vmem>>, vector<1024xf32>,
    } else {
    }
    %get3A = arith.constant 0 : index
    %get3A_2 = vector.load %arg2[%get3A] : memref<1024xf32, #tpu.memory_space<vmem>>, vector<1024xf32>
    %get3A_3 = arith.constant 0 : index
    %get3A_4 = vector.load %arg3[%get3A_3] : memref<1024xf32, #tpu.memory_space<vmem>>, vector<1024xf32>
    %scan3A = arith.constant 0 : i32
    %scan3A_5 = arith.constant 800 : i32
    %scan3A_6 = arith.addi %scan3A, %scan3A_5 : i32
    %scan3A_7 = arith.constant 8 : i32
    %scan3A_8:2 = scf.for %scan3A_13 = %scan3A to %scan3A_6 step %scan3A_7 iter_args(%scan3A_14 = %get3A_2, %scan3A_15 = %get3A_4) -> (vector<1024xf32>, vector<1024xf32>)  : i32 {
      %get3A_16 = arith.index_cast %scan3A_13 : i32 to index
      %get3A_17 = arith.constant 0 : index
      %get3A_18 = vector.load %arg1[%get3A_16, %get3A_17] : memref<800x1024xf32, #tpu.memory_space<vmem>>, vector<1x1024xf32>
      %get3A_19 = vector.shape_cast %get3A_18 : vector<1x1024xf32> to vector<1024xf32>
      %min3A = arith.minimumf %scan3A_14, %get3A_19 : vector<1024xf32>
      %max3A = arith.maximumf %scan3A_15, %min3A : vector<1024xf32>
      %max3A_20 = arith.maximumf %scan3A_14, %get3A_19 : vector<1024xf32>
      %scan3A_21 = arith.constant 1 : i32
      %scan3A_22 = arith.addi %scan3A_13, %scan3A_21 : i32
      %get3A_23 = arith.index_cast %scan3A_22 : i32 to index
      %get3A_24 = arith.constant 0 : index
      %get3A_25 = vector.load %arg1[%get3A_23, %get3A_24] : memref<800x1024xf32, #tpu.memory_space<vmem>>, vector<1x1024xf32>
      %get3A_26 = vector.shape_cast %get3A_25 : vector<1x1024xf32> to vector<1024xf32>
      %min3A_27 = arith.minimumf %max3A_20, %get3A_26 : vector<1024xf32>
      %max3A_28 = arith.maximumf %max3A, %min3A_27 : vector<1024xf32>
      %max3A_29 = arith.maximumf %max3A_20, %get3A_26 : vector<1024xf32>
      %scan3A_30 = arith.constant 2 : i32
      %scan3A_31 = arith.addi %scan3A_13, %scan3A_30 : i32
      %get3A_32 = arith.index_cast %scan3A_31 : i32 to index
      %get3A_33 = arith.constant 0 : index
      %get3A_34 = vector.load %arg1[%get3A_32, %get3A_33] : memref<800x1024xf32, #tpu.memory_space<vmem>>, vector<1x1024xf32>
      %get3A_35 = vector.shape_cast %get3A_34 : vector<1x1024xf32> to vector<1024xf32>
      %min3A_36 = arith.minimumf %max3A_29, %get3A_35 : vector<1024xf32>
      %max3A_37 = arith.maximumf %max3A_28, %min3A_36 : vector<1024xf32>
      %max3A_38 = arith.maximumf %max3A_29, %get3A_35 : vector<1024xf32>
      %scan3A_39 = arith.constant 3 : i32
      %scan3A_40 = arith.addi %scan3A_13, %scan3A_39 : i32
      %get3A_41 = arith.index_cast %scan3A_40 : i32 to index
      %get3A_42 = arith.constant 0 : index
      %get3A_43 = vector.load %arg1[%get3A_41, %get3A_42] : memref<800x1024xf32, #tpu.memory_space<vmem>>, vector<1x1024xf32>
      %get3A_44 = vector.shape_cast %get3A_43 : vector<1x1024xf32> to vector<1024xf32>
      %min3A_45 = arith.minimumf %max3A_38, %get3A_44 : vector<1024xf32>
      %max3A_46 = arith.maximumf %max3A_37, %min3A_45 : vector<1024xf32>
      %max3A_47 = arith.maximumf %max3A_38, %get3A_44 : vector<1024xf32>
      %scan3A_48 = arith.constant 4 : i32
      %scan3A_49 = arith.addi %scan3A_13, %scan3A_48 : i32
      %get3A_50 = arith.index_cast %scan3A_49 : i32 to index
      %get3A_51 = arith.constant 0 : index
      %get3A_52 = vector.load %arg1[%get3A_50, %get3A_51] : memref<800x1024xf32, #tpu.memory_space<vmem>>, vector<1x1024xf32>
      %get3A_53 = vector.shape_cast %get3A_52 : vector<1x1024xf32> to vector<1024xf32>
      %min3A_54 = arith.minimumf %max3A_47, %get3A_53 : vector<1024xf32>
      %max3A_55 = arith.maximumf %max3A_46, %min3A_54 : vector<1024xf32>
      %max3A_56 = arith.maximumf %max3A_47, %get3A_53 : vector<1024xf32>
      %scan3A_57 = arith.constant 5 : i32
      %scan3A_58 = arith.addi %scan3A_13, %scan3A_57 : i32
      %get3A_59 = arith.index_cast %scan3A_58 : i32 to index
      %get3A_60 = arith.constant 0 : index
      %get3A_61 = vector.load %arg1[%get3A_59, %get3A_60] : memref<800x1024xf32, #tpu.memory_space<vmem>>, vector<1x1024xf32>
      %get3A_62 = vector.shape_cast %get3A_61 : vector<1x1024xf32> to vector<1024xf32>
      %min3A_63 = arith.minimumf %max3A_56, %get3A_62 : vector<1024xf32>
      %max3A_64 = arith.maximumf %max3A_55, %min3A_63 : vector<1024xf32>
      %max3A_65 = arith.maximumf %max3A_56, %get3A_62 : vector<1024xf32>
      %scan3A_66 = arith.constant 6 : i32
      %scan3A_67 = arith.addi %scan3A_13, %scan3A_66 : i32
      %get3A_68 = arith.index_cast %scan3A_67 : i32 to index
      %get3A_69 = arith.constant 0 : index
      %get3A_70 = vector.load %arg1[%get3A_68, %get3A_69] : memref<800x1024xf32, #tpu.memory_space<vmem>>, vector<1x1024xf32>
      %get3A_71 = vector.shape_cast %get3A_70 : vector<1x1024xf32> to vector<1024xf32>
      %min3A_72 = arith.minimumf %max3A_65, %get3A_71 : vector<1024xf32>
      %max3A_73 = arith.maximumf %max3A_64, %min3A_72 : vector<1024xf32>
      %max3A_74 = arith.maximumf %max3A_65, %get3A_71 : vector<1024xf32>
      %scan3A_75 = arith.constant 7 : i32
      %scan3A_76 = arith.addi %scan3A_13, %scan3A_75 : i32
      %get3A_77 = arith.index_cast %scan3A_76 : i32 to index
      %get3A_78 = arith.constant 0 : index
      %get3A_79 = vector.load %arg1[%get3A_77, %get3A_78] : memref<800x1024xf32, #tpu.memory_space<vmem>>, vector<1x1024xf32>
      %get3A_80 = vector.shape_cast %get3A_79 : vector<1x1024xf32> to vector<1024xf32>
      %min3A_81 = arith.minimumf %max3A_74, %get3A_80 : vector<1024xf32>
      %max3A_82 = arith.maximumf %max3A_73, %min3A_81 : vector<1024xf32>
      %max3A_83 = arith.maximumf %max3A_74, %get3A_80 : vector<1024xf32>
      scf.yield %max3A_83, %max3A_82 : vector<1024xf32>, vector<1024xf32>
    }
    %scan3A_9 = arith.constant 800 : i32
    %swap3A = arith.constant 0 : index
    %swap3A_10 = vector.load %arg2[%swap3A] : memref<1024xf32, #tpu.memory_space<vmem>>, vector<1024xf32>
    tpu.vector_store %arg2[%swap3A], %scan3A_8#0 {strides = array<i32>} : memref<1024xf32, #tpu.memory_space<vmem>>, vector<1024xf32>,
    %swap3A_11 = arith.constant 0 : index
    %swap3A_12 = vector.load %arg3[%swap3A_11] : memref<1024xf32, #tpu.memory_space<vmem>>, vector<1024xf32>
    tpu.vector_store %arg3[%swap3A_11], %scan3A_8#1 {strides = array<i32>} : memref<1024xf32, #tpu.memory_space<vmem>>, vector<1024xf32>,
    return
  }
  func.func @transform_0(%arg0: i32) -> (i32, i32) {
    %add3A = arith.constant 78 : i32
    %add3A_0 = arith.addi %add3A, %arg0 : i32
    %c0_i32 = arith.constant 0 : i32
    %c0_i32_1 = arith.constant 0 : i32
    return %add3A_0, %c0_i32 : i32, i32
  }
  func.func @transform_1(%arg0: i32) -> i32 {
    %c0_i32 = arith.constant 0 : i32
    %c0_i32_0 = arith.constant 0 : i32
    return %c0_i32 : i32
  }
  func.func @transform_2(%arg0: i32) -> i32 {
    %c0_i32 = arith.constant 0 : i32
    %c0_i32_0 = arith.constant 0 : i32
    return %c0_i32 : i32
  }
}

</mosaic_0001>

<sc_bundles>
// kernel: kernel.5.cloned.1.call-start
scs
__scs_entry_jumppad:
0x0: {  	(pc) =	sbr.rel $0x88, $3  }
0x1: {  	(tag) =	ssettag $0x0;
	lr =	simm.s32 $0x1  }
0x2: {  	[smem:$0x3F9F] =	sst lr;
	_ =	strace $0xD0000000  }
0x3: {  	_ = 	snop  }
0x4: {  	_ = 	snop  }
0x5: {  	_ = 	snop  }
0x6: {  	_ = 	snop  }
0x7: {  	_ = 	snop  }
__scs_overlays_trampoline_lowered:
0x8: {  	[smem:$0x3FAE] =	sst s0  }
0x9: {  	[smem:$0x3FAF] =	sst s1  }
0xa: {  	[smem:$0x3FB0] =	sst s2  }
0xb: {  	[smem:$0x3FB1] =	sst s3  }
0xc: {  	[smem:$0x3FB2] =	sst s4  }
0xd: {  	[smem:$0x3FB3] =	sst s5  }
0xe: {  	[smem:$0x3FB4] =	sst s6  }
0xf: {  	[smem:$0x3FB5] =	sst s7  }
0x10: {  	[smem:$0x3FB6] =	sst s8  }
0x11: {  	[smem:$0x3FB7] =	sst s9;
	s0 =	simm.s32 @!p0 $0x0  }
0x12: {  	s1 =	sld [smem:$0x3F9D];
	s0 =	simm.s32 @p0 $0x1  }
0x13: {  	[smem:$0x3FB8] =	sst s0;
	s0 =	simm.s32 @!p1 $0x0  }
0x14: {  	s2 =	sld [smem:$0x3F9C];
	s0 =	simm.s32 @p1 $0x1  }
0x15: {  	[smem:$0x3FB9] =	sst s0;
	s0 =	simm.s32 @!p2 $0x0  }
0x16: {  	s3 =	sld [smem:$0x3FDB];
	s0 =	simm.s32 @p2 $0x1  }
0x17: {  	s4 =	simm.s32 $0x1BF5;
	[smem:$0x3FBB] =	sst s0  }
0x18: {  	s0 =	sld [smem:$0x3F9E];
	_ =	swait.ge [sflag:s4], $0x0  }
0x19: {  	s7 =	sld [smem:$0x3F9F]  }
0x1a: {  	s8 =	sadd.s32 $0xFFFFE003, lr  }
0x1b: {  	s9 =	sadd.s32 $0xFFFFFEF7, lr;
	s5 =	simm.s32 $0xFFFFFFFF;
	p2 =	slt.u32 s8, $0xFFFFF086  }
0x1c: {  	p1 =	slt.u32 s9, $0xF7A;
	s5 =	simm.s32 @!p2 $0x0  }
0x1d: {  	s5 =	simm.s32 @p1 $0x1;
	p0 =	seq.s32 s7, s2  }
0x1e: {  	s7 =	smul.u32 @!p0 $0xF7A, s2;
	p2 =	seq.s32 @!p0 s5, $0x0  }
0x1f: {  	s9 =	smul.u32 $0xF7A, s1;
	s8 =	simm.s32 @!p0 $0x1BF5;
	p2 =	por !p2, p0  }
0x20: {  	[sflag:s8] =	ssyncset.s32 @!p0 $0xFFFFF086;
	s6 =	sadd.s32 @!p0 s3, s7;
	s7 =	simm.s32 @!p0 $0x108  }
0x21: {  	s3 =	sadd.s32 s3, s9;
	s6 =	sadd.s32 @!p0 $0x88, s6;
	s7 =	simm.s32 @p2 $0x1082  }
0x22: {  	[simem:s7], [sflag:s8] =	dma.local @!p0 [hbm:s6], $0xF7A  }
0x23: {  	s9 =	sor.u32 $0xD0000000, s2;
	s6 =	simm.s32 $0x108;
	_ =	swait.ge @!p0 [sflag:s8], $0x0  }
0x24: {  	s3 =	sadd.s32 $0x88, s3;
	s6 =	simm.s32 @!p1 $0x1082;
	[sflag:s4] =	ssyncset.s32 $0xFFFFF086  }
0x25: {  	[simem:s6], [sflag:s4] =	dma.local [hbm:s3], $0xF7A  }
0x26: {  	[smem:$0x3F9F] =	sst s1;
	(tag) =	ssettag s2;
	_ =	strace s9  }
0x27: {  	s1 =	sld [smem:$0x3FAF]  }
0x28: {  	s2 =	sld [smem:$0x3FB0]  }
0x29: {  	s4 =	sld [smem:$0x3FB2]  }
0x2a: {  	p0 =	seq.s32 s5, $0x0;
	s5 =	sld [smem:$0x3FB3]  }
0x2b: {  	s6 =	sld [smem:$0x3FB4]  }
0x2c: {  	s7 =	sld [smem:$0x3FB5]  }
0x2d: {  	s3 =	simm.s32 $0x108;
	s8 =	sld [smem:$0x3FB6]  }
0x2e: {  	s3 =	simm.s32 @!p0 $0x1082;
	s9 =	sld [smem:$0x3FB7]  }
0x2f: {  	lr =	sadd.s32 s0, s3;
	s0 =	sld [smem:$0x3FAE]  }
0x30: {  	s3 =	sld [smem:$0x3FB1]  }
0x31: {  	[smem:$0x3FBA] =	sst s10  }
0x32: {  	s10 =	sld [smem:$0x3FB8];
	_ =	sdelay $0x3  }
0x33: {  	p0 =	seq.s32 s10, $0x1;
	s10 =	sld [smem:$0x3FBA];
	_ =	sdelay $0x3  }
0x34: {  	[smem:$0x3FBA] =	sst s10  }
0x35: {  	s10 =	sld [smem:$0x3FB9];
	_ =	sdelay $0x3  }
0x36: {  	p1 =	seq.s32 s10, $0x1;
	s10 =	sld [smem:$0x3FBA];
	_ =	sdelay $0x3  }
0x37: {  	[smem:$0x3FBA] =	sst s10  }
0x38: {  	s10 =	sld [smem:$0x3FBB]  }
0x39: {  	_ = 	snop;
	(pc) =	sbr.ind lr, $3  }
0x3a: {  	_ = 	snop  }
0x3b: {  	_ = 	snop  }
0x3c: {  	p2 =	seq.s32 s10, $0x1;
	s10 =	sld [smem:$0x3FBA]  }
0x3d: {  	_ =	shalt  }
0x3e: {  	_ =	shalt  }
0x3f: {  	_ =	shalt  }
0x40: {  	_ =	shalt  }
0x41: {  	_ =	shalt  }
0x42: {  	_ =	shalt  }
0x43: {  	_ =	shalt  }
0x44: {  	_ =	shalt  }
0x45: {  	_ =	shalt  }
0x46: {  	_ =	shalt  }
0x47: {  	_ =	shalt  }
0x48: {  	_ =	shalt  }
0x49: {  	_ =	shalt  }
0x4a: {  	_ =	shalt  }
0x4b: {  	_ =	shalt  }
0x4c: {  	_ =	shalt  }
0x4d: {  	_ =	shalt  }
0x4e: {  	_ =	shalt  }
0x4f: {  	_ =	shalt  }
0x50: {  	_ =	shalt  }
0x51: {  	_ =	shalt  }
0x52: {  	_ =	shalt  }
0x53: {  	_ =	shalt  }
0x54: {  	_ =	shalt  }
0x55: {  	_ =	shalt  }
0x56: {  	_ =	shalt  }
0x57: {  	_ =	shalt  }
0x58: {  	_ =	shalt  }
0x59: {  	_ =	shalt  }
0x5a: {  	_ =	shalt  }
0x5b: {  	_ =	shalt  }
0x5c: {  	_ =	shalt  }
0x5d: {  	_ =	shalt  }
0x5e: {  	_ =	shalt  }
0x5f: {  	_ =	shalt  }
0x60: {  	_ =	shalt  }
0x61: {  	_ =	shalt  }
0x62: {  	_ =	shalt  }
0x63: {  	_ =	shalt  }
0x64: {  	_ =	shalt  }
0x65: {  	_ =	shalt  }
0x66: {  	_ =	shalt  }
0x67: {  	_ =	shalt  }
0x68: {  	_ =	shalt  }
0x69: {  	_ =	shalt  }
0x6a: {  	_ =	shalt  }
0x6b: {  	_ =	shalt  }
0x6c: {  	_ =	shalt  }
0x6d: {  	_ =	shalt  }
0x6e: {  	_ =	shalt  }
0x6f: {  	_ =	shalt  }
0x70: {  	_ =	shalt  }
0x71: {  	_ =	shalt  }
0x72: {  	_ =	shalt  }
0x73: {  	_ =	shalt  }
0x74: {  	_ =	shalt  }
0x75: {  	_ =	shalt  }
0x76: {  	_ =	shalt  }
0x77: {  	_ =	shalt  }
0x78: {  	_ =	shalt  }
0x79: {  	_ =	shalt  }
0x7a: {  	_ =	shalt  }
0x7b: {  	_ =	shalt  }
0x7c: {  	_ =	shalt  }
0x7d: {  	_ =	shalt  }
0x7e: {  	_ =	shalt  }
0x7f: {  	_ =	shalt  }
0x80: {  	_ =	shalt  }
0x81: {  	_ =	shalt  }
0x82: {  	_ =	shalt  }
0x83: {  	_ =	shalt  }
0x84: {  	_ =	shalt  }
0x85: {  	_ =	shalt  }
0x86: {  	_ =	shalt  }
0x87: {  	_ =	shalt  }
.Lfunc_end0:
.L_simem_size_0:
called_computation_lowered:
.L_overlay_start_0:
0x88: {  	s2 =	sld [smem:$0x3FD9]  }
0x89: {  	s3 =	sld [smem:$0x3FFE];
	_ =	sdelay $0x1  }
0x8a: {  	s1 =	srdreg.scid  }
0x8b: {  	s0 =	sand.u32 $0x1, s1  }
0x8c: {  	s17 =	sshll.u32 s0, $0xA;
	s2 =	sadd.s32 s3, s2  }
0x8d: {  	s2 =	sadd.s32 s2, s17  }
0x8e: {  	[smem:$0x3FC6] =	sst s2  }
0x8f: {  	_ = 	snop  }
0x90: {  	s2 =	sld [smem:$0x3FC9];
	(tm) =	ssettm $0x1  }
0x91: {  	s18 =	sld [smem:$0x3FFB];
	_ =	sdelay $0x3  }
0x92: {  	_ =	strace s18  }
0x93: {  	s3 =	sld [smem:$0x3FFC];
	_ =	sdelay $0x3  }
0x94: {  	_ =	strace s3  }
0x95: {  	s3 =	sld [smem:$0x3FFD];
	_ =	sdelay $0x3  }
0x96: {  	_ =	strace s3  }
0x97: {  	_ =	strace $0x8FFFFFFF  }
0x98: {  	s19 =	sld [smem:$0x3FDB];
	_ =	sdelay $0x1  }
0x99: {  	s4 =	simm.s32 $_scs_section_size  }
0x9a: {  	s5 =	simm.s32 $_size__tile_overlayer_lowered;
	s6 =	simm.s32 $_tile_overlayer_lowered  }
0x9b: {  	s22 =	simm.s32 $0x1BFF;
	s21 =	sshll.u32 s6, $0x1;
	s3 =	sadd.s32 s4, s19  }
0x9c: {  	s7 =	simm.s32 $0x0;
	s20 =	sshll.u32 s5, $0x1;
	s5 =	sadd.s32 s21, s3  }
0x9d: {  	[timem:s7], [sflag:s22] =	dma.local [hbm:s5], s20  }
0x9e: {  	_ =	swait.ge [sflag:s22], s20  }
0x9f: {  	s4 =	ssub.s32 $0x0, s20;
	[sflag:s22] =	ssyncset.done $0x0  }
0xa0: {  	[sflag:s22] =	ssyncadd.s32 s4;
	_ =	sdelay $0x1  }
0xa1: {  	s23 =	simm.s32 $0x1B8B  }
0xa2: {  	_ =	swait.ge [sflag:s23], $0x1  }
0xa3: {  	[sflag:s23] =	ssyncset.done $0x0  }
0xa4: {  	s25 =	simm.s32 $0x1B8E;
	s24 =	sld [smem:$0x3FFE];
	[sflag:s23] =	ssyncadd.s32 $0xFFFFFFFF  }
0xa5: {  	s26 =	simm.s32 $execute0_lowered;
	[smem:$0x3FD2] =	sst s25  }
0xa6: {  	s5 =	sshll.u32 s26, $0x1;
	_ =	strace $0x80000046;
	[dreg:$0x1] =	wrdreg $0xFFFFFFFF  }
0xa7: {  	s28 =	simm.s32 $_size_execute0_lowered;
	s3 =	sadd.s32 s3, s5;
	[dreg:$0x0] =	wrdreg $0x0  }
0xa8: {  	s5 =	sshll.u32 s28, $0x1;
	[dreg:$0x2] =	wrdreg s3  }
0xa9: {  	[dreg:$0x3] =	wrdreg s5  }
0xaa: {  	[dreg:$0x4] =	wrdreg $0xC0  }
0xab: {  	_ =	task [dreg:s7], $0x5FFFF  }
0xac: {  	[dreg:$0x1] =	wrdreg $0xFFFFFFFF  }
0xad: {  	[dreg:$0x0] =	wrdreg $0x60  }
0xae: {  	[dreg:$0x2] =	wrdreg s2  }
0xaf: {  	[dreg:$0x3] =	wrdreg s24  }
0xb0: {  	[dreg:$0x4] =	wrdreg $0x9  }
0xb1: {  	_ =	task.clear_ibuf [dreg:s7], $0x5FFFF;
	_ =	strace $0x90000046  }
0xb2: {  	s29 =	simm.s32 $0x9;
	_ =	strace $0x80000048  }
0xb3: {  	_ =	swait.ge [sflag:s29], $0x1  }
0xb4: {  	[sflag:s29] =	ssyncadd.s32 $0xFFFFFFFF  }
0xb5: {  	_ =	strace $0x90000048  }
0xb6: {  	_ =	sfence  }
0xb7: {  	s30 =	sld [smem:$0x0];
	_ =	sdelay $0x2  }
0xb8: {  	s31 =	sshll.u32 s1, $0xD;
	s1 =	sshrl.u32 s1, $0x2  }
0xb9: {  	s3 =	sand.u32 $0x4000, s31;
	s1 =	sadd.s32 s1, s30  }
0xba: {  	s0 =	sor.u32 s3, s0;
	s1 =	sshll.u32 s1, $0x11  }
0xbb: {  	s0 =	sor.u32 s1, s0  }
0xbc: {  	s0 =	sadd.s32 $0x8F2B, s0  }
0xbd: {  	[sflag:s0] =	ssyncadd.remote.s32 $0x1  }
0xbe: {  	_ =	sfence.sel $0xFFFF  }
0xbf: {  	[dreg:$0x0] =	wrdreg $0xFFFFFFFF;
	(pc) =	sbr.abs _section_cstart, $3  }
0xc0: {  	[dreg:$0x1] =	wrdreg $0xFFFFFFFF  }
0xc1: {  	_ =	task.clear_ibuf [dreg:s7], $0x2FFFF;
	_ =	strace $0x9FFFFFFF  }
0xc2: {  	(tm) =	ssettm $0x7FFFFFFF  }
0xc3: {  	_ =	shalt  }
tec
execute0_lowered:
.L_overlay_start_1:
0x0: {  	(tag) =	ssettag $0x1  }
0x1: {  	s2 =	rddreg [dreg:$0x0]  }
0x2: {  	s4 =	rddreg [dreg:$0x1];
	s1 =	stileid.u32  }
0x3: {  	s0 =	rddreg [dreg:$0x2];
	s5 =	srdreg.scid;
	s3 =	simm.s32 $0x0  }
0x4: {  	s13 =	simm.s32 $0x7800;
	s14 =	simm.s32 $0x1;
	s15 =	simm.s32 $0x2  }
0x5: {  	s16 =	simm.s32 $0xF000;
	s17 =	simm.s32 $0x3;
	s18 =	simm.s32 $0xF080  }
0x6: {  	s19 =	simm.s32 $0x0;
	s6 =	sshll.u32 s1, $0x1;
	s7 =	sshrl.u32 s1, $0x2  }
0x7: {  	s5 =	sand.u32 $0x1, s5;
	[smem:$0x7FF] =	sst s3;
	s10 =	smul.u32 $0x1E7800, s7  }
0x8: {  	s6 =	sand.u32 $0x6, s6;
	_ =	strace $0x80000047;
	s12 =	smul.u32 $0xF3C000, s7  }
0x9: {  	s26 =	smul.u32 $0x3CF0, s7;
	s6 =	sor.u32 s5, s6;
	s5 =	ssub.s32 $0x2, s5  }
0xa: {  	s9 =	sshll.u32 s7, $0xA;
	s8 =	sshll.u32 s6, $0x7;
	s11 =	sshrl.u32 s5, $0x1  }
0xb: {  	s28 =	sadd.s32 s2, s10;
	s29 =	sshrl.u32 s12, $0x3;
	s31 =	sor.u32 s6, s26  }
0xc: {  	s12 =	simm.s32 $0x2000;
	s9 =	sor.u32 s9, s8;
	s11 =	ssub.s32 s5, s11  }
0xd: {  	s30 =	sadd.s32 s2, s8;
	s6 =	sadd.s32 $0x1E0, s31;
	s9 =	sshrl.u32 s9, $0x3  }
0xe: {  	s7 =	sadd.s32 s30, s29;
	s10 =	smax.u32 s11, $0x1;
	s11 =	simm.s32 $0x400  }
0xf: {  	s9 =	sadd.s32 s9, s4;
	s4 =	sadd.s32 s8, s28;
	s5 =	sadd.s32 $0x7800, s7  }
0x10: {  	s7 =	sadd.s32 $0x2D0, s31;
	s8 =	sadd.s32 $0x1000, s9;
	s9 =	sadd.s32 $0x1200, s9  }
.LBB2_1:
0x11: {  	v1 =	vimm.f32 $-Inf  }
0x12: {  	v3 =	vimm.f32 $-Inf;
	v19 =	vimm.f32 $-Inf;
	v15 =	vimm.f32 $-Inf  }
0x13: {  	v2 =	vimm.f32 $-Inf;
	v0 =	vimm.f32 $-Inf;
	v13 =	vimm.f32 $-Inf  }
0x14: {  	[tilespmem:s3], [sflag:$0x1] =	stream.strided.gather [hbm4b:s4+s11], $0x7800, s12, s11, $0x38;
	v7 =	vimm.f32 $-Inf;
	v5 =	vimm.f32 $-Inf;
	v4 =	vimm.f32 $-Inf;
	[tilespmem:$0xF100] =	vst v63  }
0x15: {  	v14 =	vimm.f32 $-Inf;
	v12 =	vimm.f32 $-Inf;
	v11 =	vimm.f32 $-Inf;
	s20 =	simm.s32 $0x0  }
0x16: {  	v10 =	vimm.f32 $-Inf;
	v16 =	vimm.f32 $-Inf;
	v8 =	vimm.f32 $-Inf;
	[tilespmem:s13], [sflag:$0x2] =	stream.strided.gather [hbm4b:s5+s11], $0x7800, s12, s11, $0x38;
	[tilespmem:$0xF100] =	vst v63  }
.LBB2_2:
0x17: {  	_ =	swait.ge [sflag:s14], $0x7800  }
0x18: {  	[sflag:s14] =	ssyncset.done $0x0  }
0x19: {  	s22 =	simm.s32 $0x100;
	[sflag:s14] =	ssyncadd.s32 $0xFFFF8800  }
0x1a: {  	v6 =	vld [tilespmem:s22+$0x20]  }
0x1b: {  	v18 =	vld [tilespmem:s22+$0x80]  }
0x1c: {  	v20 =	vld [tilespmem:s22+$0x70]  }
0x1d: {  	v21 =	vld [tilespmem:s22+$0xFFFFFFF0]  }
0x1e: {  	v22 =	vld [tilespmem:s22+$0x0]  }
0x1f: {  	v17 =	vld [tilespmem:s22+$0xFFFFFF80]  }
0x20: {  	v23 =	vld [tilespmem:s22+$0xFFFFFF00]  }
0x21: {  	v25 =	vld [tilespmem:s22+$0xFFFFFF70]  }
0x22: {  	v26 =	vld [tilespmem:s22+$0xE0]  }
0x23: {  	v24 =	vld [tilespmem:s22+$0xF0]  }
0x24: {  	v9 =	vld [tilespmem:s22+$0xFFFFFFC0]  }
0x25: {  	v28 =	vld [tilespmem:s22+$0x60];
	v27 =	vmin.f32 v8, v23;
	v8 =	vmax.f32 v8, v23  }
0x26: {  	v30 =	vld [tilespmem:s22+$0xFFFFFF50];
	v29 =	vmin.f32 v5, v25;
	v5 =	vmax.f32 v5, v25;
	v7 =	vmax.f32 v7, v27  }
0x27: {  	v36 =	vld [tilespmem:s22+$0xFFFFFF20];
	v23 =	vmin.f32 v8, v17;
	v8 =	vmax.f32 v8, v17;
	v3 =	vmax.f32 v3, v29  }
0x28: {  	v29 =	vld [tilespmem:s22+$0xFFFFFF10];
	v7 =	vmax.f32 v7, v23;
	v27 =	vmin.f32 v8, v22;
	v8 =	vmax.f32 v8, v22  }
0x29: {  	v22 =	vld [tilespmem:s22+$0xFFFFFF60];
	v25 =	vmax.f32 v7, v27;
	v7 =	vmin.f32 v5, v21;
	v5 =	vmax.f32 v5, v21  }
0x2a: {  	v35 =	vld [tilespmem:s22+$0xFFFFFF40];
	v3 =	vmax.f32 v3, v7;
	v7 =	vmin.f32 v5, v20;
	v5 =	vmax.f32 v5, v20  }
0x2b: {  	v32 =	vmin.f32 v14, v30;
	v23 =	vld [tilespmem:s22+$0xFFFFFFE0];
	v20 =	vmax.f32 v3, v7;
	v21 =	vmin.f32 v5, v24  }
0x2c: {  	v17 =	vld [tilespmem:s22+$0xFFFFFFD0];
	v3 =	vmax.f32 v5, v24;
	v24 =	vmin.f32 v8, v18;
	v7 =	vmax.f32 v8, v18  }
0x2d: {  	v27 =	vld [tilespmem:s22+$0xFFFFFFA0];
	v5 =	vmax.f32 v20, v21;
	v8 =	vmax.f32 v25, v24;
	v24 =	vmax.f32 v14, v30  }
0x2e: {  	v34 =	vld [tilespmem:s22+$0xFFFFFF30];
	v30 =	vmax.f32 v10, v36;
	v33 =	vmin.f32 v16, v29;
	v18 =	vmin.f32 v4, v22  }
0x2f: {  	v31 =	vld [tilespmem:s22+$0xFFFFFFB0];
	v4 =	vmax.f32 v4, v22;
	v22 =	vmax.f32 v12, v35;
	v33 =	vmax.f32 v13, v33  }
0x30: {  	v25 =	vld [tilespmem:s22+$0xFFFFFF90];
	v12 =	vmin.f32 v12, v35;
	v18 =	vmax.f32 v19, v18;
	v20 =	vmin.f32 v4, v23  }
0x31: {  	v19 =	vmin.f32 v24, v17;
	v4 =	vmax.f32 v4, v23;
	v21 =	vmax.f32 v18, v20;
	v18 =	vld [tilespmem:s22+$0xD0]  }
0x32: {  	v14 =	vmax.f32 v22, v9;
	v13 =	vmin.f32 v30, v27;
	v23 =	vmin.f32 v4, v28;
	v20 =	vld [tilespmem:s22+$0x50]  }
0x33: {  	v37 =	vmax.f32 v4, v28;
	v28 =	vmax.f32 v16, v29;
	v16 =	vmax.f32 v15, v32;
	v29 =	vld [tilespmem:s22+$0x30]  }
0x34: {  	v32 =	vmin.f32 v11, v34;
	v34 =	vmax.f32 v11, v34;
	v15 =	vld [tilespmem:s22+$0xA0];
	v4 =	vmax.f32 v37, v26  }
0x35: {  	s21 =	simm.s32 $0x0;
	s23 =	simm.s32 $0x300;
	v11 =	vmin.f32 v37, v26;
	v26 =	vmin.f32 v10, v36;
	v10 =	vld [tilespmem:s22+$0xB0];
	v35 =	vmin.f32 v28, v25  }
.LBB2_3:
0x36: {  	v36 =	vld [tilespmem:s23+$0x20];
	s21 =	sadd.s32 $0x4, s21;
	v33 =	vmax.f32 v33, v35;
	v27 =	vmax.f32 v30, v27;
	v17 =	vmax.f32 v24, v17  }
0x37: {  	p0 =	slt.u32 s21, $0xEC;
	v24 =	vmin.f32 v34, v31;
	v30 =	vmax.f32 v34, v31;
	v31 =	vld [tilespmem:s22+$0x10];
	v34 =	vmax.f32 v17, v20  }
0x38: {  	v2 =	vmax.f32 v2, v32;
	v32 =	vmin.f32 v30, v29;
	v35 =	vld [tilespmem:s22+$0xC0];
	v37 =	vmax.f32 v34, v18  }
0x39: {  	v25 =	vmax.f32 v28, v25;
	v21 =	vmax.f32 v21, v23;
	v28 =	vmax.f32 v30, v29;
	v29 =	vld [tilespmem:s22+$0x40]  }
0x3a: {  	v9 =	vmin.f32 v22, v9;
	v22 =	vld [tilespmem:s22+$0x90];
	v23 =	vmin.f32 v28, v10;
	v10 =	vmax.f32 v28, v10;
	s22 =	smov.u32 s23  }
0x3b: {  	v1 =	vmax.f32 v1, v12;
	v12 =	vmax.f32 v16, v19;
	v16 =	vmax.f32 v27, v6;
	v28 =	vld [tilespmem:s23+$0x80]  }
0x3c: {  	v18 =	vmin.f32 v34, v18;
	v38 =	vmax.f32 v16, v15;
	v19 =	vld [tilespmem:s23+$0x70];
	v30 =	vmin.f32 v25, v31  }
0x3d: {  	v0 =	vmax.f32 v0, v26;
	v17 =	vmin.f32 v17, v20;
	v15 =	vmin.f32 v16, v15;
	v34 =	vld [tilespmem:s23+$0xFFFFFFF0]  }
0x3e: {  	v25 =	vmax.f32 v25, v31;
	v20 =	vmax.f32 v33, v30;
	v16 =	vld [tilespmem:s23+$0x0];
	v26 =	vmin.f32 v14, v29  }
0x3f: {  	v0 =	vmax.f32 v0, v13;
	v13 =	vmax.f32 v14, v29;
	v30 =	vld [tilespmem:s23+$0xFFFFFF80];
	v14 =	vmin.f32 v25, v22  }
0x40: {  	v27 =	vmin.f32 v27, v6;
	v6 =	vmovc v36;
	v39 =	vmax.f32 v13, v35;
	v29 =	vld [tilespmem:s23+$0xFFFFFF00];
	v33 =	vmax.f32 v20, v14  }
0x41: {  	v1 =	vmax.f32 v1, v9;
	v0 =	vmax.f32 v0, v27;
	v31 =	vmax.f32 v25, v22;
	v36 =	vld [tilespmem:s23+$0xE0]  }
0x42: {  	v2 =	vmax.f32 v2, v24;
	v0 =	vmax.f32 v0, v15;
	v13 =	vmin.f32 v13, v35;
	v14 =	vld [tilespmem:s23+$0xF0]  }
0x43: {  	v12 =	vmax.f32 v12, v17;
	v2 =	vmax.f32 v2, v32;
	v1 =	vmax.f32 v1, v26;
	v15 =	vld [tilespmem:s23+$0xFFFFFF70]  }
0x44: {  	v11 =	vmax.f32 v21, v11;
	v2 =	vmax.f32 v2, v23;
	v1 =	vmax.f32 v1, v13;
	v9 =	vld [tilespmem:s23+$0xFFFFFFC0]  }
0x45: {  	v12 =	vmax.f32 v12, v18;
	v13 =	vmin.f32 v7, v29;
	v7 =	vmax.f32 v7, v29;
	v26 =	vld [tilespmem:s23+$0x60]  }
0x46: {  	v8 =	vmax.f32 v8, v13;
	v13 =	vmin.f32 v7, v30;
	v7 =	vmax.f32 v7, v30;
	v17 =	vld [tilespmem:s23+$0xFFFFFFD0]  }
0x47: {  	v8 =	vmax.f32 v8, v13;
	v13 =	vld [tilespmem:s23+$0xFFFFFFE0];
	v18 =	vmin.f32 v7, v16;
	v7 =	vmax.f32 v7, v16  }
0x48: {  	v16 =	vld [tilespmem:s23+$0xFFFFFF60];
	v20 =	vmin.f32 v3, v15;
	v3 =	vmax.f32 v3, v15;
	v8 =	vmax.f32 v8, v18  }
0x49: {  	v15 =	vld [tilespmem:s23+$0xFFFFFF50];
	v5 =	vmax.f32 v5, v20;
	v18 =	vmin.f32 v3, v34;
	v3 =	vmax.f32 v3, v34  }
0x4a: {  	v35 =	vld [tilespmem:s23+$0xFFFFFF40];
	v5 =	vmax.f32 v5, v18;
	v18 =	vmin.f32 v3, v19;
	v3 =	vmax.f32 v3, v19  }
0x4b: {  	v34 =	vld [tilespmem:s23+$0xFFFFFF30];
	v5 =	vmax.f32 v5, v18;
	v18 =	vmin.f32 v3, v14;
	v3 =	vmax.f32 v3, v14  }
0x4c: {  	v14 =	vmin.f32 v7, v28;
	v7 =	vmax.f32 v7, v28;
	v40 =	vld [tilespmem:s23+$0xFFFFFF20];
	v5 =	vmax.f32 v5, v18  }
0x4d: {  	v8 =	vmax.f32 v8, v14;
	v28 =	vld [tilespmem:s23+$0xFFFFFF10];
	v18 =	vmin.f32 v4, v16;
	v4 =	vmax.f32 v4, v16  }
0x4e: {  	v24 =	vmax.f32 v37, v15;
	v11 =	vmax.f32 v11, v18;
	v27 =	vld [tilespmem:s23+$0xFFFFFFA0];
	v14 =	vmin.f32 v4, v13  }
0x4f: {  	v4 =	vmax.f32 v4, v13;
	v19 =	vmin.f32 v24, v17;
	v21 =	vmax.f32 v11, v14;
	v18 =	vld [tilespmem:s23+$0xD0]  }
0x50: {  	v22 =	vmax.f32 v39, v35;
	v11 =	vmin.f32 v37, v15;
	v23 =	vmin.f32 v4, v26;
	v25 =	vld [tilespmem:s23+$0xFFFFFF90]  }
.Ltmp0:
0x51: {  	v26 =	vmax.f32 v4, v26;
	v14 =	vmax.f32 v22, v9;
	v30 =	vmax.f32 v38, v40;
	v20 =	vld [tilespmem:s23+$0x50];
	(pc) =	sbr.rel @p0 .LBB2_3-.Ltmp0, $4  }
0x52: {  	v4 =	vmax.f32 v26, v36;
	v13 =	vmin.f32 v31, v28;
	v28 =	vmax.f32 v31, v28;
	v31 =	vld [tilespmem:s23+$0xFFFFFFB0]  }
0x53: {  	v16 =	vmax.f32 v12, v11;
	v33 =	vmax.f32 v33, v13;
	v13 =	vmin.f32 v30, v27;
	v29 =	vld [tilespmem:s23+$0x30]  }
0x54: {  	v32 =	vmin.f32 v10, v34;
	v34 =	vmax.f32 v10, v34;
	v11 =	vmin.f32 v26, v36;
	v15 =	vld [tilespmem:s23+$0xA0]  }
0x55: {  	v12 =	vmin.f32 v39, v35;
	v26 =	vmin.f32 v38, v40;
	s23 =	sadd.s32 $0x200, s23;
	v35 =	vmin.f32 v28, v25;
	v10 =	vld [tilespmem:s22+$0xB0]  }
0x56: {  	s21 =	smul.u32 $0x1E0, s20;
	_ =	sdelay $0x1  }
0x57: {  	v36 =	vld [tilespmem:s22+$0x10];
	s23 =	sadd.s32 s21, s6  }
0x58: {  	v37 =	vld [tilespmem:s22+$0xC0];
	s23 =	sshll.u32 s23, $0x7  }
0x59: {  	v38 =	vld [tilespmem:s22+$0x40];
	s31 =	sadd.s32 s2, s23  }
0x5a: {  	v39 =	vld [tilespmem:s22+$0x90];
	v33 =	vmax.f32 v33, v35;
	v27 =	vmax.f32 v30, v27;
	v17 =	vmax.f32 v24, v17;
	[tilespmem:s3], [sflag:$0x1] =	stream.strided.gather [hbm4b:s31+s11], $0x7800, s12, s11, $0x38  }
0x5b: {  	v25 =	vmax.f32 v28, v25;
	v21 =	vmax.f32 v21, v23;
	v9 =	vmin.f32 v22, v9;
	_ =	swait.ge [sflag:s15], $0x7800  }
0x5c: {  	v1 =	vmax.f32 v1, v12;
	v0 =	vmax.f32 v0, v26;
	v30 =	vmax.f32 v34, v31;
	[sflag:s15] =	ssyncset.done $0x0  }
0x5d: {  	s22 =	simm.s32 $0x7900;
	v24 =	vmin.f32 v34, v31;
	v31 =	vmax.f32 v2, v32;
	v2 =	vmax.f32 v30, v29;
	[sflag:s15] =	ssyncadd.s32 $0xFFFF8800  }
0x5e: {  	v57 =	vmax.f32 v17, v20;
	v22 =	vmin.f32 v2, v10;
	v58 =	vmax.f32 v2, v10;
	v2 =	vld [tilespmem:s22+$0x20]  }
0x5f: {  	v12 =	vmax.f32 v27, v6;
	v17 =	vmin.f32 v17, v20;
	v10 =	vmax.f32 v16, v19;
	v16 =	vld [tilespmem:s22+$0x80]  }
0x60: {  	v0 =	vmax.f32 v0, v13;
	v6 =	vmin.f32 v27, v6;
	v1 =	vmax.f32 v1, v9;
	v23 =	vld [tilespmem:s22+$0x70]  }
0x61: {  	v28 =	vmin.f32 v30, v29;
	v26 =	vmax.f32 v12, v15;
	v12 =	vmin.f32 v12, v15;
	v15 =	vld [tilespmem:s22+$0xFFFFFFF0]  }
0x62: {  	v19 =	vmin.f32 v25, v36;
	v20 =	vmax.f32 v25, v36;
	v25 =	vmin.f32 v14, v38;
	v30 =	vld [tilespmem:s22+$0x0]  }
0x63: {  	v13 =	vmax.f32 v14, v38;
	v19 =	vmax.f32 v33, v19;
	v14 =	vmin.f32 v20, v39;
	v59 =	vld [tilespmem:s22+$0xFFFFFF80]  }
0x64: {  	v11 =	vmax.f32 v21, v11;
	v29 =	vmax.f32 v57, v18;
	v33 =	vmax.f32 v19, v14;
	v14 =	vld [tilespmem:s22+$0xFFFFFF00]  }
0x65: {  	v0 =	vmax.f32 v0, v6;
	v6 =	vmax.f32 v31, v24;
	v10 =	vmax.f32 v10, v17;
	v17 =	vld [tilespmem:s22+$0xFFFFFF70]  }
0x66: {  	v18 =	vmin.f32 v57, v18;
	v6 =	vmax.f32 v6, v28;
	v0 =	vmax.f32 v0, v12;
	v61 =	vld [tilespmem:s22+$0xE0]  }
0x67: {  	v9 =	vmax.f32 v6, v22;
	v60 =	vmax.f32 v13, v37;
	v12 =	vmin.f32 v13, v37;
	v13 =	vld [tilespmem:s22+$0xF0]  }
0x68: {  	v27 =	vmax.f32 v20, v39;
	v1 =	vmax.f32 v1, v25;
	v18 =	vmax.f32 v10, v18;
	v6 =	vld [tilespmem:s22+$0xFFFFFFC0]  }
0x69: {  	v1 =	vmax.f32 v1, v12;
	v62 =	vld [tilespmem:s22+$0xFFFFFF20];
	v10 =	vmin.f32 v7, v14;
	v7 =	vmax.f32 v7, v14  }
0x6a: {  	v21 =	vld [tilespmem:s22+$0x60];
	v20 =	vmin.f32 v3, v17;
	v3 =	vmax.f32 v3, v17;
	v8 =	vmax.f32 v8, v10  }
0x6b: {  	v19 =	vld [tilespmem:s22+$0xFFFFFF60];
	v12 =	vmin.f32 v7, v59;
	v7 =	vmax.f32 v7, v59;
	v5 =	vmax.f32 v5, v20  }
0x6c: {  	v28 =	vld [tilespmem:s22+$0xFFFFFF40];
	v8 =	vmax.f32 v8, v12;
	v14 =	vmin.f32 v7, v30;
	v7 =	vmax.f32 v7, v30  }
0x6d: {  	v17 =	vld [tilespmem:s22+$0xFFFFFF50];
	v14 =	vmax.f32 v8, v14;
	v8 =	vmin.f32 v3, v15;
	v3 =	vmax.f32 v3, v15  }
0x6e: {  	v10 =	vld [tilespmem:s22+$0xFFFFFFD0];
	v30 =	vmax.f32 v26, v62;
	v5 =	vmax.f32 v5, v8;
	v8 =	vmin.f32 v3, v23  }
0x6f: {  	v12 =	vld [tilespmem:s22+$0xFFFFFFE0];
	v26 =	vmin.f32 v26, v62;
	v3 =	vmax.f32 v3, v23;
	v20 =	vmax.f32 v5, v8  }
0x70: {  	v24 =	vld [tilespmem:s22+$0xFFFFFF10];
	v22 =	vmin.f32 v3, v13;
	v5 =	vmax.f32 v3, v13;
	v13 =	vmin.f32 v7, v16  }
0x71: {  	v25 =	vld [tilespmem:s22+$0xFFFFFFA0];
	v8 =	vmax.f32 v7, v16;
	v16 =	vmin.f32 v4, v19;
	v4 =	vmax.f32 v4, v19  }
0x72: {  	v15 =	vld [tilespmem:s22+$0xFFFFFF30];
	v3 =	vmax.f32 v20, v22;
	v7 =	vmax.f32 v14, v13;
	v14 =	vmax.f32 v29, v17  }
0x73: {  	v31 =	vld [tilespmem:s22+$0xFFFFFFB0];
	v11 =	vmax.f32 v11, v16;
	v20 =	vmax.f32 v60, v28;
	v28 =	vmin.f32 v60, v28  }
0x74: {  	v23 =	vld [tilespmem:s22+$0xFFFFFF90];
	v13 =	vmin.f32 v4, v12;
	v16 =	vmin.f32 v14, v10;
	v4 =	vmax.f32 v4, v12  }
0x75: {  	v12 =	vmax.f32 v20, v6;
	v19 =	vmax.f32 v11, v13;
	v13 =	vld [tilespmem:s22+$0xD0];
	v11 =	vmin.f32 v29, v17  }
0x76: {  	v22 =	vmin.f32 v4, v21;
	v17 =	vld [tilespmem:s22+$0x50];
	v63 =	vmax.f32 v4, v21;
	v21 =	vmin.f32 v27, v24  }
0x77: {  	v27 =	vmax.f32 v27, v24;
	v29 =	vld [tilespmem:s22+$0x30];
	v32 =	vmin.f32 v58, v15;
	v34 =	vmax.f32 v58, v15  }
0x78: {  	v4 =	vmax.f32 v63, v61;
	v33 =	vmax.f32 v33, v21;
	v24 =	vmax.f32 v18, v11;
	v21 =	vld [tilespmem:s22+$0xA0]  }
0x79: {  	s24 =	simm.s32 $0x7B00;
	s23 =	simm.s32 $0x0;
	v18 =	vmin.f32 v30, v25;
	v15 =	vmin.f32 v63, v61;
	v35 =	vmin.f32 v27, v23;
	v11 =	vld [tilespmem:s22+$0xB0]  }
.LBB2_5:
0x7a: {  	v36 =	vld [tilespmem:s24+$0x20];
	s23 =	sadd.s32 $0x4, s23;
	v33 =	vmax.f32 v33, v35;
	v25 =	vmax.f32 v30, v25;
	v10 =	vmax.f32 v14, v10  }
0x7b: {  	p0 =	slt.u32 s23, $0xEC;
	v14 =	vmin.f32 v34, v31;
	v30 =	vmax.f32 v34, v31;
	v31 =	vld [tilespmem:s22+$0x10];
	v34 =	vmax.f32 v10, v17  }
0x7c: {  	v9 =	vmax.f32 v9, v32;
	v32 =	vmin.f32 v30, v29;
	v35 =	vld [tilespmem:s22+$0xC0];
	v37 =	vmax.f32 v34, v13  }
0x7d: {  	v23 =	vmax.f32 v27, v23;
	v19 =	vmax.f32 v19, v22;
	v27 =	vmax.f32 v30, v29;
	v29 =	vld [tilespmem:s22+$0x40]  }
0x7e: {  	v6 =	vmin.f32 v20, v6;
	v20 =	vld [tilespmem:s22+$0x90];
	v22 =	vmin.f32 v27, v11;
	v11 =	vmax.f32 v27, v11;
	s22 =	smov.u32 s24  }
0x7f: {  	v1 =	vmax.f32 v1, v28;
	v16 =	vmax.f32 v24, v16;
	v24 =	vmax.f32 v25, v2;
	v27 =	vld [tilespmem:s24+$0x80]  }
0x80: {  	v13 =	vmin.f32 v34, v13;
	v38 =	vmax.f32 v24, v21;
	v28 =	vld [tilespmem:s24+$0x70];
	v30 =	vmin.f32 v23, v31  }
0x81: {  	v0 =	vmax.f32 v0, v26;
	v10 =	vmin.f32 v10, v17;
	v17 =	vmin.f32 v24, v21;
	v34 =	vld [tilespmem:s24+$0xFFFFFFF0]  }
0x82: {  	v23 =	vmax.f32 v23, v31;
	v24 =	vmax.f32 v33, v30;
	v21 =	vld [tilespmem:s24+$0x0];
	v26 =	vmin.f32 v12, v29  }
0x83: {  	v0 =	vmax.f32 v0, v18;
	v12 =	vmax.f32 v12, v29;
	v30 =	vld [tilespmem:s24+$0xFFFFFF80];
	v18 =	vmin.f32 v23, v20  }
0x84: {  	v25 =	vmin.f32 v25, v2;
	v2 =	vmovc v36;
	v39 =	vmax.f32 v12, v35;
	v29 =	vld [tilespmem:s24+$0xFFFFFF00];
	v18 =	vmax.f32 v24, v18  }
0x85: {  	v1 =	vmax.f32 v1, v6;
	v0 =	vmax.f32 v0, v25;
	v24 =	vmax.f32 v23, v20;
	v36 =	vld [tilespmem:s24+$0xE0]  }
0x86: {  	v6 =	vmax.f32 v9, v14;
	v0 =	vmax.f32 v0, v17;
	v12 =	vmin.f32 v12, v35;
	v20 =	vld [tilespmem:s24+$0xF0]  }
0x87: {  	v10 =	vmax.f32 v16, v10;
	v9 =	vmax.f32 v6, v32;
	v1 =	vmax.f32 v1, v26;
	v14 =	vld [tilespmem:s24+$0xFFFFFF70]  }
0x88: {  	v9 =	vmax.f32 v9, v22;
	v1 =	vmax.f32 v1, v12;
	v12 =	vmax.f32 v19, v15;
	v6 =	vld [tilespmem:s24+$0xFFFFFFC0]  }
0x89: {  	v15 =	vmin.f32 v8, v29;
	v8 =	vmax.f32 v8, v29;
	v26 =	vld [tilespmem:s24+$0x60];
	v29 =	vmax.f32 v10, v13  }
0x8a: {  	v7 =	vmax.f32 v7, v15;
	v13 =	vmin.f32 v8, v30;
	v8 =	vmax.f32 v8, v30;
	v10 =	vld [tilespmem:s24+$0xFFFFFFD0]  }
0x8b: {  	v7 =	vmax.f32 v7, v13;
	v13 =	vld [tilespmem:s24+$0xFFFFFFE0];
	v15 =	vmin.f32 v8, v21;
	v8 =	vmax.f32 v8, v21  }
0x8c: {  	v16 =	vld [tilespmem:s24+$0xFFFFFF60];
	v17 =	vmin.f32 v5, v14;
	v5 =	vmax.f32 v5, v14;
	v7 =	vmax.f32 v7, v15  }
0x8d: {  	v15 =	vld [tilespmem:s24+$0xFFFFFF50];
	v3 =	vmax.f32 v3, v17;
	v14 =	vmin.f32 v5, v34;
	v5 =	vmax.f32 v5, v34  }
0x8e: {  	v35 =	vld [tilespmem:s24+$0xFFFFFF40];
	v3 =	vmax.f32 v3, v14;
	v14 =	vmin.f32 v5, v28;
	v5 =	vmax.f32 v5, v28  }
0x8f: {  	v21 =	vld [tilespmem:s24+$0xFFFFFF30];
	v3 =	vmax.f32 v3, v14;
	v14 =	vmin.f32 v5, v20;
	v5 =	vmax.f32 v5, v20  }
0x90: {  	v17 =	vmin.f32 v8, v27;
	v8 =	vmax.f32 v8, v27;
	v28 =	vld [tilespmem:s24+$0xFFFFFF20];
	v3 =	vmax.f32 v3, v14  }
0x91: {  	v7 =	vmax.f32 v7, v17;
	v27 =	vld [tilespmem:s24+$0xFFFFFF10];
	v19 =	vmin.f32 v4, v16;
	v4 =	vmax.f32 v4, v16  }
0x92: {  	v14 =	vmax.f32 v37, v15;
	v12 =	vmax.f32 v12, v19;
	v25 =	vld [tilespmem:s24+$0xFFFFFFA0];
	v17 =	vmin.f32 v4, v13  }
0x93: {  	v4 =	vmax.f32 v4, v13;
	v16 =	vmin.f32 v14, v10;
	v19 =	vmax.f32 v12, v17;
	v13 =	vld [tilespmem:s24+$0xD0]  }
0x94: {  	v15 =	vmin.f32 v37, v15;
	v20 =	vmax.f32 v39, v35;
	v22 =	vmin.f32 v4, v26;
	v23 =	vld [tilespmem:s24+$0xFFFFFF90]  }
.Ltmp1:
0x95: {  	v26 =	vmax.f32 v4, v26;
	v12 =	vmax.f32 v20, v6;
	v30 =	vmax.f32 v38, v28;
	v17 =	vld [tilespmem:s24+$0x50];
	(pc) =	sbr.rel @p0 .LBB2_5-.Ltmp1, $4  }
0x96: {  	v4 =	vmax.f32 v26, v36;
	v32 =	vmin.f32 v24, v27;
	v27 =	vmax.f32 v24, v27;
	v31 =	vld [tilespmem:s24+$0xFFFFFFB0]  }
0x97: {  	v24 =	vmax.f32 v29, v15;
	v33 =	vmax.f32 v18, v32;
	v18 =	vmin.f32 v30, v25;
	v29 =	vld [tilespmem:s24+$0x30]  }
0x98: {  	v34 =	vmax.f32 v11, v21;
	v15 =	vmin.f32 v26, v36;
	v32 =	vmin.f32 v11, v21;
	v21 =	vld [tilespmem:s24+$0xA0]  }
0x99: {  	v26 =	vmin.f32 v38, v28;
	v28 =	vmin.f32 v39, v35;
	s24 =	sadd.s32 $0x200, s24;
	v35 =	vmin.f32 v27, v23;
	v11 =	vld [tilespmem:s22+$0xB0]  }
0x9a: {  	v33 =	vmax.f32 v33, v35  }
0x9b: {  	v25 =	vmax.f32 v30, v25;
	v54 =	vmax.f32 v14, v10;
	v9 =	vmax.f32 v9, v32  }
0x9c: {  	v23 =	vmax.f32 v27, v23;
	v19 =	vmax.f32 v19, v22;
	v6 =	vmin.f32 v20, v6  }
0x9d: {  	v1 =	vmax.f32 v1, v28;
	v24 =	vmax.f32 v24, v16;
	v0 =	vmax.f32 v0, v26  }
0x9e: {  	v55 =	vmin.f32 v34, v31;
	v10 =	vmax.f32 v34, v31;
	v56 =	vmax.f32 v54, v17  }
0x9f: {  	v16 =	vmax.f32 v25, v2;
	v17 =	vmin.f32 v54, v17;
	v0 =	vmax.f32 v0, v18  }
0xa0: {  	v36 =	vld [tilespmem:s22+$0x10];
	v2 =	vmin.f32 v25, v2;
	v1 =	vmax.f32 v1, v6;
	v19 =	vmax.f32 v19, v15  }
0xa1: {  	v58 =	vld [tilespmem:s22+$0x40];
	v57 =	vmin.f32 v10, v29;
	v14 =	vmax.f32 v56, v13;
	v10 =	vmax.f32 v10, v29  }
0xa2: {  	v20 =	vld [tilespmem:s22+$0x90];
	v31 =	vmin.f32 v56, v13;
	v0 =	vmax.f32 v0, v2;
	v2 =	vmax.f32 v9, v55  }
0xa3: {  	v60 =	vld [tilespmem:s22+$0xC0];
	v9 =	vmax.f32 v24, v17;
	v62 =	vmin.f32 v16, v21;
	v2 =	vmax.f32 v2, v57  }
0xa4: {  	p0 =	seq.s32 s20, $0x1F;
	v15 =	vmax.f32 v9, v31;
	v59 =	vmin.f32 v10, v11;
	v11 =	vmax.f32 v10, v11  }
.Ltmp2:
0xa5: {  	v10 =	vmax.f32 v16, v21;
	v0 =	vmax.f32 v0, v62;
	v61 =	vmin.f32 v23, v36;
	(pc) =	sbr.rel @p0 .LBB2_8-.Ltmp2, $4  }
0xa6: {  	v16 =	vmax.f32 v23, v36;
	v63 =	vmin.f32 v12, v58;
	v18 =	vmax.f32 v12, v58  }
0xa7: {  	v2 =	vmax.f32 v2, v59;
	v13 =	vmax.f32 v33, v61;
	v12 =	vmin.f32 v16, v20  }
0xa8: {  	v16 =	vmax.f32 v16, v20;
	v6 =	vmin.f32 v18, v60;
	v1 =	vmax.f32 v1, v63  }
0xa9: {  	v13 =	vmax.f32 v13, v12;
	v12 =	vmax.f32 v18, v60;
	v1 =	vmax.f32 v1, v6  }
.Ltmp3:
0xaa: {  	(pc) =	sbr.rel .LBB2_2-.Ltmp3, $4  }
0xab: {  	s21 =	sadd.s32 s21, s7  }
0xac: {  	s21 =	sshll.u32 s21, $0x7  }
0xad: {  	s20 =	sadd.s32 $0x1, s20;
	s21 =	sadd.s32 s2, s21  }
0xae: {  	[tilespmem:s13], [sflag:$0x2] =	stream.strided.gather [hbm4b:s21+s11], $0x7800, s12, s11, $0x38;
	[tilespmem:$0xF100] =	vst v63  }
.LBB2_8:
0xaf: {  	_ =	swait.ge [sflag:s14], $0x7800  }
0xb0: {  	[sflag:s14] =	ssyncset.done $0x0  }
0xb1: {  	s20 =	simm.s32 $0x100;
	[sflag:s14] =	ssyncadd.s32 $0xFFFF8800  }
0xb2: {  	v6 =	vld [tilespmem:s20+$0x20]  }
0xb3: {  	v17 =	vld [tilespmem:s20+$0x80]  }
0xb4: {  	v20 =	vld [tilespmem:s20+$0x70]  }
0xb5: {  	v21 =	vld [tilespmem:s20+$0xFFFFFFF0]  }
0xb6: {  	v22 =	vld [tilespmem:s20+$0x0]  }
0xb7: {  	v18 =	vld [tilespmem:s20+$0xFFFFFF80]  }
0xb8: {  	v23 =	vld [tilespmem:s20+$0xFFFFFF00]  }
0xb9: {  	v25 =	vld [tilespmem:s20+$0xFFFFFF70]  }
0xba: {  	v27 =	vld [tilespmem:s20+$0xE0]  }
0xbb: {  	v24 =	vld [tilespmem:s20+$0xF0]  }
0xbc: {  	v9 =	vld [tilespmem:s20+$0xFFFFFFC0]  }
0xbd: {  	v30 =	vld [tilespmem:s20+$0xFFFFFF50];
	v26 =	vmin.f32 v8, v23;
	v8 =	vmax.f32 v8, v23  }
0xbe: {  	v35 =	vld [tilespmem:s20+$0xFFFFFF40];
	v29 =	vmin.f32 v5, v25;
	v5 =	vmax.f32 v5, v25;
	v7 =	vmax.f32 v7, v26  }
0xbf: {  	v36 =	vld [tilespmem:s20+$0xFFFFFF20];
	v23 =	vmin.f32 v8, v18;
	v8 =	vmax.f32 v8, v18;
	v3 =	vmax.f32 v3, v29  }
0xc0: {  	v29 =	vld [tilespmem:s20+$0xFFFFFF10];
	v7 =	vmax.f32 v7, v23;
	v26 =	vmin.f32 v8, v22;
	v8 =	vmax.f32 v8, v22  }
0xc1: {  	v22 =	vld [tilespmem:s20+$0xFFFFFF60];
	v25 =	vmax.f32 v7, v26;
	v7 =	vmin.f32 v5, v21;
	v5 =	vmax.f32 v5, v21  }
0xc2: {  	v33 =	vld [tilespmem:s20+$0xFFFFFF30];
	v3 =	vmax.f32 v3, v7;
	v7 =	vmin.f32 v5, v20;
	v5 =	vmax.f32 v5, v20  }
0xc3: {  	v32 =	vmin.f32 v14, v30;
	v18 =	vld [tilespmem:s20+$0xFFFFFFD0];
	v20 =	vmax.f32 v3, v7;
	v21 =	vmin.f32 v5, v24  }
0xc4: {  	v23 =	vld [tilespmem:s20+$0xFFFFFFE0];
	v3 =	vmax.f32 v5, v24;
	v24 =	vmin.f32 v8, v17;
	v7 =	vmax.f32 v8, v17  }
0xc5: {  	v26 =	vld [tilespmem:s20+$0xFFFFFFA0];
	v5 =	vmax.f32 v20, v21;
	v8 =	vmax.f32 v25, v24;
	v24 =	vmax.f32 v14, v30  }
0xc6: {  	v28 =	vld [tilespmem:s20+$0x60];
	v30 =	vmax.f32 v10, v36;
	v34 =	vmin.f32 v16, v29;
	v17 =	vmin.f32 v4, v22  }
0xc7: {  	v31 =	vld [tilespmem:s20+$0xFFFFFFB0];
	v4 =	vmax.f32 v4, v22;
	v34 =	vmax.f32 v13, v34;
	v13 =	vmax.f32 v15, v32  }
0xc8: {  	v25 =	vld [tilespmem:s20+$0xFFFFFF90];
	v32 =	vmin.f32 v11, v33;
	v33 =	vmax.f32 v11, v33;
	v17 =	vmax.f32 v19, v17  }
0xc9: {  	v21 =	vld [tilespmem:s20+$0x50];
	v20 =	vmin.f32 v4, v23;
	v19 =	vmin.f32 v24, v18;
	v4 =	vmax.f32 v4, v23  }
0xca: {  	v23 =	vmax.f32 v12, v35;
	v15 =	vmin.f32 v30, v26;
	v20 =	vmax.f32 v17, v20;
	v17 =	vld [tilespmem:s20+$0xD0]  }
0xcb: {  	v22 =	vmin.f32 v4, v28;
	v37 =	vmax.f32 v4, v28;
	v28 =	vmax.f32 v16, v29;
	v29 =	vld [tilespmem:s20+$0x30]  }
0xcc: {  	v12 =	vmin.f32 v12, v35;
	v14 =	vmax.f32 v23, v9;
	v16 =	vld [tilespmem:s20+$0xA0];
	v4 =	vmax.f32 v37, v27  }
0xcd: {  	s21 =	simm.s32 $0x0;
	s22 =	simm.s32 $0x300;
	v11 =	vmin.f32 v37, v27;
	v27 =	vmin.f32 v10, v36;
	v10 =	vld [tilespmem:s20+$0xB0];
	v35 =	vmin.f32 v28, v25  }
.LBB2_9:
0xce: {  	v36 =	vld [tilespmem:s22+$0x20];
	s21 =	sadd.s32 $0x4, s21;
	v34 =	vmax.f32 v34, v35;
	v26 =	vmax.f32 v30, v26;
	v18 =	vmax.f32 v24, v18  }
0xcf: {  	p0 =	slt.u32 s21, $0xEC;
	v24 =	vmin.f32 v33, v31;
	v30 =	vmax.f32 v33, v31;
	v31 =	vld [tilespmem:s20+$0x10];
	v33 =	vmax.f32 v18, v21  }
0xd0: {  	v2 =	vmax.f32 v2, v32;
	v32 =	vmin.f32 v30, v29;
	v35 =	vld [tilespmem:s20+$0xC0];
	v37 =	vmax.f32 v33, v17  }
0xd1: {  	v25 =	vmax.f32 v28, v25;
	v20 =	vmax.f32 v20, v22;
	v28 =	vmax.f32 v30, v29;
	v29 =	vld [tilespmem:s20+$0x40]  }
0xd2: {  	v9 =	vmin.f32 v23, v9;
	v22 =	vld [tilespmem:s20+$0x90];
	v23 =	vmin.f32 v28, v10;
	v10 =	vmax.f32 v28, v10;
	s20 =	smov.u32 s22  }
0xd3: {  	v1 =	vmax.f32 v1, v12;
	v12 =	vmax.f32 v13, v19;
	v13 =	vmax.f32 v26, v6;
	v28 =	vld [tilespmem:s22+$0x80]  }
0xd4: {  	v17 =	vmin.f32 v33, v17;
	v38 =	vmax.f32 v13, v16;
	v19 =	vld [tilespmem:s22+$0x70];
	v30 =	vmin.f32 v25, v31  }
0xd5: {  	v0 =	vmax.f32 v0, v27;
	v18 =	vmin.f32 v18, v21;
	v13 =	vmin.f32 v13, v16;
	v33 =	vld [tilespmem:s22+$0xFFFFFFF0]  }
0xd6: {  	v25 =	vmax.f32 v25, v31;
	v21 =	vmax.f32 v34, v30;
	v16 =	vld [tilespmem:s22+$0x0];
	v27 =	vmin.f32 v14, v29  }
0xd7: {  	v0 =	vmax.f32 v0, v15;
	v14 =	vmax.f32 v14, v29;
	v30 =	vld [tilespmem:s22+$0xFFFFFF80];
	v15 =	vmin.f32 v25, v22  }
0xd8: {  	v26 =	vmin.f32 v26, v6;
	v6 =	vmovc v36;
	v39 =	vmax.f32 v14, v35;
	v29 =	vld [tilespmem:s22+$0xFFFFFF00];
	v15 =	vmax.f32 v21, v15  }
0xd9: {  	v1 =	vmax.f32 v1, v9;
	v0 =	vmax.f32 v0, v26;
	v31 =	vmax.f32 v25, v22;
	v36 =	vld [tilespmem:s22+$0xE0]  }
0xda: {  	v2 =	vmax.f32 v2, v24;
	v0 =	vmax.f32 v0, v13;
	v13 =	vmin.f32 v14, v35;
	v21 =	vld [tilespmem:s22+$0xF0]  }
0xdb: {  	v12 =	vmax.f32 v12, v18;
	v2 =	vmax.f32 v2, v32;
	v1 =	vmax.f32 v1, v27;
	v14 =	vld [tilespmem:s22+$0xFFFFFF70]  }
0xdc: {  	v11 =	vmax.f32 v20, v11;
	v2 =	vmax.f32 v2, v23;
	v1 =	vmax.f32 v1, v13;
	v9 =	vld [tilespmem:s22+$0xFFFFFFC0]  }
0xdd: {  	v12 =	vmax.f32 v12, v17;
	v13 =	vmin.f32 v7, v29;
	v7 =	vmax.f32 v7, v29;
	v27 =	vld [tilespmem:s22+$0x60]  }
0xde: {  	v8 =	vmax.f32 v8, v13;
	v13 =	vmin.f32 v7, v30;
	v7 =	vmax.f32 v7, v30;
	v18 =	vld [tilespmem:s22+$0xFFFFFFD0]  }
0xdf: {  	v8 =	vmax.f32 v8, v13;
	v13 =	vld [tilespmem:s22+$0xFFFFFFE0];
	v17 =	vmin.f32 v7, v16;
	v7 =	vmax.f32 v7, v16  }
0xe0: {  	v16 =	vld [tilespmem:s22+$0xFFFFFF60];
	v20 =	vmin.f32 v3, v14;
	v3 =	vmax.f32 v3, v14;
	v8 =	vmax.f32 v8, v17  }
0xe1: {  	v14 =	vld [tilespmem:s22+$0xFFFFFF50];
	v5 =	vmax.f32 v5, v20;
	v17 =	vmin.f32 v3, v33;
	v3 =	vmax.f32 v3, v33  }
0xe2: {  	v35 =	vld [tilespmem:s22+$0xFFFFFF40];
	v5 =	vmax.f32 v5, v17;
	v17 =	vmin.f32 v3, v19;
	v3 =	vmax.f32 v3, v19  }
0xe3: {  	v33 =	vld [tilespmem:s22+$0xFFFFFF30];
	v5 =	vmax.f32 v5, v17;
	v17 =	vmin.f32 v3, v21;
	v3 =	vmax.f32 v3, v21  }
0xe4: {  	v19 =	vmin.f32 v7, v28;
	v7 =	vmax.f32 v7, v28;
	v40 =	vld [tilespmem:s22+$0xFFFFFF20];
	v5 =	vmax.f32 v5, v17  }
0xe5: {  	v8 =	vmax.f32 v8, v19;
	v28 =	vld [tilespmem:s22+$0xFFFFFF10];
	v17 =	vmin.f32 v4, v16;
	v4 =	vmax.f32 v4, v16  }
0xe6: {  	v24 =	vmax.f32 v37, v14;
	v11 =	vmax.f32 v11, v17;
	v26 =	vld [tilespmem:s22+$0xFFFFFFA0];
	v16 =	vmin.f32 v4, v13  }
0xe7: {  	v4 =	vmax.f32 v4, v13;
	v19 =	vmin.f32 v24, v18;
	v20 =	vmax.f32 v11, v16;
	v17 =	vld [tilespmem:s22+$0xD0]  }
0xe8: {  	v23 =	vmax.f32 v39, v35;
	v11 =	vmin.f32 v37, v14;
	v22 =	vmin.f32 v4, v27;
	v25 =	vld [tilespmem:s22+$0xFFFFFF90]  }
.Ltmp4:
0xe9: {  	v27 =	vmax.f32 v4, v27;
	v14 =	vmax.f32 v23, v9;
	v30 =	vmax.f32 v38, v40;
	v21 =	vld [tilespmem:s22+$0x50];
	(pc) =	sbr.rel @p0 .LBB2_9-.Ltmp4, $4  }
0xea: {  	v4 =	vmax.f32 v27, v36;
	v13 =	vmin.f32 v31, v28;
	v28 =	vmax.f32 v31, v28;
	v31 =	vld [tilespmem:s22+$0xFFFFFFB0]  }
0xeb: {  	v34 =	vmax.f32 v15, v13;
	v13 =	vmax.f32 v12, v11;
	v15 =	vmin.f32 v30, v26;
	v29 =	vld [tilespmem:s22+$0x30]  }
0xec: {  	v32 =	vmin.f32 v10, v33;
	v33 =	vmax.f32 v10, v33;
	v11 =	vmin.f32 v27, v36;
	v16 =	vld [tilespmem:s22+$0xA0]  }
0xed: {  	v27 =	vmin.f32 v38, v40;
	v12 =	vmin.f32 v39, v35;
	s22 =	sadd.s32 $0x200, s22;
	v35 =	vmin.f32 v28, v25;
	v10 =	vld [tilespmem:s20+$0xB0]  }
0xee: {  	v61 =	vld [tilespmem:s20+$0x10]  }
0xef: {  	v63 =	vld [tilespmem:s20+$0x90]  }
0xf0: {  	v34 =	vmax.f32 v34, v35;
	v26 =	vmax.f32 v30, v26;
	v18 =	vmax.f32 v24, v18;
	v36 =	vld [tilespmem:s20+$0xC0]  }
0xf1: {  	v2 =	vmax.f32 v2, v32;
	v25 =	vmax.f32 v28, v25;
	v44 =	vld [tilespmem:s20+$0x40];
	v9 =	vmin.f32 v23, v9;
	[tilespmem:$0xF000] =	vst v7  }
0xf2: {  	v0 =	vmax.f32 v0, v27;
	[tilespmem:$0xF080] =	vst v8;
	v1 =	vmax.f32 v1, v12;
	v57 =	vmax.f32 v13, v19  }
0xf3: {  	[tilespmem:$0xF060] =	vst v4;
	v62 =	vmin.f32 v33, v31;
	v40 =	vmax.f32 v33, v31;
	v41 =	vmax.f32 v18, v21  }
0xf4: {  	[tilespmem:$0xF070] =	vst v3;
	v46 =	vmax.f32 v26, v6;
	v0 =	vmax.f32 v0, v15;
	v50 =	vmin.f32 v26, v6  }
0xf5: {  	[tilespmem:$0xF0F0] =	vst v5;
	v1 =	vmax.f32 v1, v9;
	v42 =	vmin.f32 v40, v29;
	v59 =	vmax.f32 v41, v17  }
0xf6: {  	v0 =	vmax.f32 v0, v50;
	v51 =	vmax.f32 v46, v16;
	v52 =	vmin.f32 v46, v16;
	[tilespmem:$0xF050] =	vst v59  }
0xf7: {  	v43 =	vmax.f32 v40, v29;
	v2 =	vmax.f32 v2, v62;
	v0 =	vmax.f32 v0, v52;
	[tilespmem:$0xF020] =	vst v51  }
0xf8: {  	v2 =	vmax.f32 v2, v42;
	v45 =	vmin.f32 v43, v10;
	v53 =	vmax.f32 v43, v10;
	[tilespmem:$0xF0A0] =	vst v0  }
0xf9: {  	v47 =	vmin.f32 v25, v61;
	v25 =	vmax.f32 v25, v61;
	v2 =	vmax.f32 v2, v45;
	[tilespmem:$0xF030] =	vst v53  }
0xfa: {  	v55 =	vmax.f32 v14, v44;
	v49 =	vmin.f32 v25, v63;
	v25 =	vmax.f32 v25, v63;
	[tilespmem:$0xF0B0] =	vst v2  }
0xfb: {  	v58 =	vmin.f32 v18, v21;
	v62 =	vmax.f32 v20, v22;
	v56 =	vmax.f32 v55, v36;
	[tilespmem:$0xF010] =	vst v25  }
0xfc: {  	v54 =	vmin.f32 v14, v44;
	v48 =	vmax.f32 v34, v47;
	v63 =	vmax.f32 v62, v11;
	[tilespmem:$0xF040] =	vst v56  }
0xfd: {  	v0 =	vmin.f32 v55, v36;
	v1 =	vmax.f32 v1, v54;
	v7 =	vmax.f32 v48, v49;
	[tilespmem:$0xF0E0] =	vst v63  }
0xfe: {  	v60 =	vmin.f32 v41, v17;
	v2 =	vmax.f32 v57, v58;
	v0 =	vmax.f32 v1, v0;
	[tilespmem:$0xF090] =	vst v7  }
0xff: {  	v61 =	vmax.f32 v2, v60;
	[tilespmem:$0xF0C0] =	vst v0  }
0x100: {  	[tilespmem:$0xF0D0] =	vst v61  }
0x101: {  	[hbm4b:s8+s3] =	stream.linear.scatter [tilespmem:s16], [sflag:$0x3], $0x80, $0x38;
	[tilespmem:$0xF100] =	vst v63  }
0x102: {  	s19 =	sadd.s32 $0x1, s19;
	_ =	swait.ge [sflag:s17], $0x80  }
0x103: {  	p0 =	sne.s32 s19, s10;
	[sflag:s17] =	ssyncset.done $0x0  }
.Ltmp5:
0x104: {  	[sflag:s17] =	ssyncadd.s32 $0xFFFFFF80;
	(pc) =	sbr.rel @p0 .LBB2_1-.Ltmp5, $4  }
0x105: {  	[hbm4b:s9+s3] =	stream.linear.scatter [tilespmem:s18], [sflag:$0x3], $0x80, $0x38;
	[tilespmem:$0xF100] =	vst v63  }
0x106: {  	_ =	swait.ge [sflag:s17], $0x80  }
0x107: {  	[sflag:s17] =	ssyncset.done $0x0  }
0x108: {  	[sflag:s17] =	ssyncadd.s32 $0xFFFFFF80  }
0x109: {  	_ =	sfence.sel $0x180000  }
0x10a: {  	[bflag:$0x0] =	sbarrier.arrive $0xFFFF  }
0x10b: {  	p0 =	sne.s32 s1, $0x0;
	_ =	strace $0x90000047  }
0x10c: {  	s0 =	sadd.s32 @!p0 $0x100000, s0;
	[bflag:$0x2] =	sbarrier.arrive $0xFFFF  }
0x10d: {  	[sflag:s0] =	ssyncadd.tile.s32 @!p0 $0x1;
	_ =	shalt  }
.Lfunc_end2:
_tile_overlayer_lowered:
.L_overlay_start_2:
0x10e: {  	(tag) =	ssettag $0x2  }
0x10f: {  	s0 =	rddreg [dreg:$0x0];
	s2 =	stileid.u32  }
0x110: {  	s1 =	rddreg [dreg:$0x1];
	p0 =	sne.s32 s2, $0x0  }
0x111: {  	s3 =	rddreg [dreg:$0x2];
	[bflag:$0x3] =	sbarrier.arrive $0xFFFF;
	s2 =	simm.s32 @!p0 $0x1C03  }
0x112: {  	[timem:s3], [sflag:s2] =	dma.local @!p0 [hbm:s0], s1  }
0x113: {  	s0 =	simm.s32 @!p0 $0x3  }
0x114: {  	_ =	swait.ge @!p0 [sflag:s0], s1  }
0x115: {  	s1 =	ssub.s32 @!p0 $0x0, s1;
	[sflag:s0] =	ssyncset.done @!p0 $0x0  }
0x116: {  	[sflag:s0] =	ssyncadd.s32 @!p0 s1  }
0x117: {  	[bflag:$0x3] =	sbarrier.arrive $0xFFFF  }
0x118: {  	_ =	shalt  }

</sc_bundles>
